<compile_context>
chip_gen: v7x
topology: tpu7x:2x2x1
jax: 0.10.2.dev20260603
libtpu: 0.0.44.dev20260713+nightly
codegen_flags: <defaults>
</compile_context>

<pallas_src>
import functools

import jax
import jax.numpy as jnp
from jax import lax
from jax.experimental import pallas as pl
from jax.experimental.pallas import tpu as pltpu
from jax.experimental.pallas import tpu_sc as plsc

N = 10000
E = 320000
D = 128
H = 128
O = 64
G = 128

NC = 2
NS = 16
L = 128

NP = 10240
KW = 80
CH = 40
EPAD = NC * NS * KW * L




def _deg_sc_body(ones_hbm, dst_hbm, zeros_hbm, out_hbm,
                 dst_v, ones_v, deg_s):
    c = lax.axis_index("c")
    s = lax.axis_index("s")
    apt = NP // NS
    pltpu.sync_copy(ones_hbm, ones_v)
    pltpu.sync_copy(zeros_hbm.at[pl.ds(s * apt, apt)], deg_s.at[pl.ds(s * apt, apt)])
    plsc.subcore_barrier()

    def chunk(q, carry):
        pltpu.sync_copy(dst_hbm.at[c, s, pl.ds(q * CH, CH)], dst_v)

        def body(j, carry2):
            pltpu.sync_copy(ones_v, deg_s.at[dst_v.at[j]], add=True)
            return carry2

        lax.fori_loop(0, CH, body, 0)
        return carry

    lax.fori_loop(0, KW // CH, chunk, 0)
    plsc.subcore_barrier()
    pltpu.sync_copy(deg_s.at[pl.ds(s * apt, apt)], out_hbm.at[c, pl.ds(s * apt, apt)])

def _agg_sc_body(y_hbm, src_hbm, dst_hbm, zeros_hbm, out_hbm,
                 src_v, dst_v, rows_a, rows_b, agg_s,
                 sem_a, sem_b, sem_sa, sem_sb):
    c = lax.axis_index("c")
    s = lax.axis_index("s")
    apt = NP // NS
    pltpu.sync_copy(zeros_hbm.at[pl.ds(s * apt, apt)], agg_s.at[pl.ds(s * apt, apt)])
    plsc.subcore_barrier()

    def chunk(q, carry):
        pltpu.sync_copy(src_hbm.at[c, s, pl.ds(q * CH, CH)], src_v)
        pltpu.sync_copy(dst_hbm.at[c, s, pl.ds(q * CH, CH)], dst_v)
        pltpu.async_copy(y_hbm.at[src_v.at[0]], rows_a, sem_a)

        def body(t, carry2):
            j0 = 2 * t
            j1 = j0 + 1
            pltpu.make_async_copy(y_hbm.at[src_v.at[j0]], rows_a, sem_a).wait()
            pltpu.async_copy(y_hbm.at[src_v.at[j1]], rows_b, sem_b)
            pltpu.sync_copy(rows_a, agg_s.at[dst_v.at[j0]], add=True)
            pltpu.make_async_copy(y_hbm.at[src_v.at[j1]], rows_b, sem_b).wait()

            @pl.when(t < CH // 2 - 1)
            def _():
                pltpu.async_copy(y_hbm.at[src_v.at[j0 + 2]], rows_a, sem_a)

            pltpu.sync_copy(rows_b, agg_s.at[dst_v.at[j1]], add=True)
            return carry2

        lax.fori_loop(0, CH // 2, body, 0)
        return carry

    lax.fori_loop(0, KW // CH, chunk, 0)
    plsc.subcore_barrier()
    pltpu.sync_copy(agg_s.at[pl.ds(s * apt, apt)], out_hbm.at[c, pl.ds(s * apt, apt)])


@functools.cache
def _sc_kernels():
    mesh = plsc.VectorSubcoreMesh(core_axis_name="c", subcore_axis_name="s")
    deg = pl.kernel(
        _deg_sc_body,
        out_type=jax.ShapeDtypeStruct((NC, NP, H), jnp.float32),
        mesh=mesh,
        scratch_types=[
            pltpu.VMEM((CH, L), jnp.int32),
            pltpu.VMEM((L, H), jnp.float32),
            pltpu.VMEM_SHARED((NP, H), jnp.float32),
        ],
    )
    agg = pl.kernel(
        _agg_sc_body,
        out_type=jax.ShapeDtypeStruct((NC, NP, H), jnp.float32),
        mesh=mesh,
        scratch_types=[
            pltpu.VMEM((CH, L), jnp.int32),
            pltpu.VMEM((CH, L), jnp.int32),
            pltpu.VMEM((L, H), jnp.float32),
            pltpu.VMEM((L, H), jnp.float32),
            pltpu.VMEM_SHARED((NP, H), jnp.float32),
            pltpu.SemaphoreType.DMA,
            pltpu.SemaphoreType.DMA,
            pltpu.SemaphoreType.DMA,
            pltpu.SemaphoreType.DMA,
        ],
    )
    return deg, agg



def _tcA_body(x_ref, w_ref, degp_ref, y_ref, dis_ref):
    deg = degp_ref[0, :N, 0:1] + degp_ref[1, :N, 0:1] + 1.0
    dis = lax.rsqrt(deg)
    dis_ref[:N, :] = dis
    dis_ref[N:, :] = jnp.ones((NP - N, 1), jnp.float32)
    xw = jnp.dot(x_ref[...], w_ref[...], preferred_element_type=jnp.float32)
    y_ref[:N, :] = xw * dis
    y_ref[N:, :] = jnp.zeros((NP - N, H), jnp.float32)


def _bn_relu(agg_ref, y_ref, dis_ref, b_ref, g_ref, be_ref):
    dis = dis_ref[:N, :]
    a = agg_ref[0, :N, :] + agg_ref[1, :N, :] + y_ref[:N, :]
    z = a * dis + b_ref[...]
    mu = jnp.mean(z, axis=0, keepdims=True)
    zc = z - mu
    var = jnp.mean(zc * zc, axis=0, keepdims=True)
    h = jnp.maximum(zc * lax.rsqrt(var + 1e-5) * g_ref[...] + be_ref[...], 0.0)
    return h, dis


def _tcB_body(agg_ref, y_ref, dis_ref, b_ref, g_ref, be_ref, w_ref, out_ref):
    h, dis = _bn_relu(agg_ref, y_ref, dis_ref, b_ref, g_ref, be_ref)
    out_ref[:N, :] = jnp.dot(h, w_ref[...], preferred_element_type=jnp.float32) * dis
    out_ref[N:, :] = jnp.zeros((NP - N, H), jnp.float32)


def _tcC_body(agg_ref, y_ref, dis_ref, b_ref, g_ref, be_ref,
              batch_ref, fcw_ref, fcb_ref, out_ref):
    h, _ = _bn_relu(agg_ref, y_ref, dis_ref, b_ref, g_ref, be_ref)
    grp = lax.broadcasted_iota(jnp.int32, (G, N), 0)
    onehot = (batch_ref[...] == grp).astype(jnp.float32)
    ssum = jnp.dot(onehot, h, preferred_element_type=jnp.float32)
    cnt = jnp.sum(onehot, axis=1, keepdims=True)
    pooled = ssum / jnp.maximum(cnt, 1.0)
    out_ref[...] = jnp.dot(pooled, fcw_ref[...],
                           preferred_element_type=jnp.float32) + fcb_ref[...]


_tcA = pl.pallas_call(
    _tcA_body, out_shape=(jax.ShapeDtypeStruct((NP, H), jnp.float32),
                          jax.ShapeDtypeStruct((NP, 1), jnp.float32)))
_tcB = pl.pallas_call(
    _tcB_body, out_shape=jax.ShapeDtypeStruct((NP, H), jnp.float32))
_tcC = pl.pallas_call(
    _tcC_body, out_shape=jax.ShapeDtypeStruct((G, O), jnp.float32))



@jax.jit
def kernel(x, edge_index, batch,
           W1, b1, g1, be1, W2, b2, g2, be2, W3, b3, g3, be3, fcW, fcb):
    src = edge_index[0]
    dst = edge_index[1]
    pad = EPAD - E
    padi = jnp.arange(pad, dtype=jnp.int32)
    srcp = jnp.concatenate([src, padi % 16])
    dstp = jnp.concatenate([dst, N + (padi % 128)])
    src_a = srcp.reshape(NC, NS, KW, L)
    dst_a = dstp.reshape(NC, NS, KW, L)

    zerosH = jnp.zeros((NP, H), jnp.float32)
    onesL = jnp.ones((L, H), jnp.float32)

    _deg_sc, _agg_sc = _sc_kernels()
    degp = _deg_sc(onesL, dst_a, zerosH)

    b1r, g1r, be1r = b1.reshape(1, H), g1.reshape(1, H), be1.reshape(1, H)
    b2r, g2r, be2r = b2.reshape(1, H), g2.reshape(1, H), be2.reshape(1, H)
    b3r, g3r, be3r = b3.reshape(1, H), g3.reshape(1, H), be3.reshape(1, H)

    y1, dis = _tcA(x, W1, degp)
    a1 = _agg_sc(y1, src_a, dst_a, zerosH)
    y2 = _tcB(a1, y1, dis, b1r, g1r, be1r, W2)
    a2 = _agg_sc(y2, src_a, dst_a, zerosH)
    y3 = _tcB(a2, y2, dis, b2r, g2r, be2r, W3)
    a3 = _agg_sc(y3, src_a, dst_a, zerosH)
    out = _tcC(a3, y3, dis, b3r, g3r, be3r,
               batch.reshape(1, N), fcW, fcb.reshape(1, O))
    return out

# --- scband reference (transcript-rebuilt; emitter-appended) ---
"""Pipeline reference for scband-gnnmodel-62663572849123 (READ-ONLY COPY).

The authoritative reference and input builder live on the scoring server;
editing this copy changes nothing except your own understanding.
"""

import jax, jax.numpy as jnp
import numpy as np

N = 10000
E = 320000
D = 128
H = 128
O = 64
G = 128


def setup_inputs(seed: int = 0) -> dict:
    key = jax.random.key(seed)
    ks = jax.random.split(key, 20)
    x = jax.random.normal(ks[0], (N, D), dtype=jnp.float32)
    edge_index = jax.random.randint(ks[1], (2, E), 0, N, dtype=jnp.int32)
    batch = jnp.sort(jax.random.randint(ks[2], (N,), 0, G, dtype=jnp.int32))
    W1 = jax.random.normal(ks[3], (D, H), dtype=jnp.float32) * 0.05
    b1 = jnp.zeros((H,), dtype=jnp.float32)
    g1 = jnp.ones((H,), dtype=jnp.float32)
    be1 = jnp.zeros((H,), dtype=jnp.float32)
    W2 = jax.random.normal(ks[4], (H, H), dtype=jnp.float32) * 0.05
    b2 = jnp.zeros((H,), dtype=jnp.float32)
    g2 = jnp.ones((H,), dtype=jnp.float32)
    be2 = jnp.zeros((H,), dtype=jnp.float32)
    W3 = jax.random.normal(ks[5], (H, H), dtype=jnp.float32) * 0.05
    b3 = jnp.zeros((H,), dtype=jnp.float32)
    g3 = jnp.ones((H,), dtype=jnp.float32)
    be3 = jnp.zeros((H,), dtype=jnp.float32)
    fcW = jax.random.normal(ks[6], (H, O), dtype=jnp.float32) * 0.05
    fcb = jnp.zeros((O,), dtype=jnp.float32)
    return {"x": x, "edge_index": edge_index, "batch": batch,
            "W1": W1, "b1": b1, "g1": g1, "be1": be1,
            "W2": W2, "b2": b2, "g2": g2, "be2": be2,
            "W3": W3, "b3": b3, "g3": g3, "be3": be3,
            "fcW": fcW, "fcb": fcb}


def _gcn_conv(x, edge_index, W, b):
    # GCNConv: D^{-1/2} (A + I) D^{-1/2} X W + b  (add self-loops, symmetric norm)
    src = edge_index[0]
    dst = edge_index[1]
    loop = jnp.arange(N, dtype=src.dtype)
    s = jnp.concatenate([src, loop])
    d = jnp.concatenate([dst, loop])
    deg = jnp.zeros((N,), x.dtype).at[d].add(1.0)
    dis = 1.0 / jnp.sqrt(deg)  # deg >= 1 due to self-loops
    norm = dis[s] * dis[d]
    xw = x @ W
    msg = xw[s] * norm[:, None]
    out = jnp.zeros((N, W.shape[1]), x.dtype).at[d].add(msg)
    return out + b


def _bn(x, g, be, eps=1e-5):
    mu = jnp.mean(x, axis=0)
    var = jnp.var(x, axis=0)
    return (x - mu) / jnp.sqrt(var + eps) * g + be


def reference(x, edge_index, batch, W1, b1, g1, be1, W2, b2, g2, be2, W3, b3, g3, be3, fcW, fcb):
    h = _gcn_conv(x, edge_index, W1, b1)
    h = jax.nn.relu(_bn(h, g1, be1))
    h = _gcn_conv(h, edge_index, W2, b2)
    h = jax.nn.relu(_bn(h, g2, be2))
    h = _gcn_conv(h, edge_index, W3, b3)
    h = jax.nn.relu(_bn(h, g3, be3))
    # global mean pool over graphs
    sums = jax.ops.segment_sum(h, batch, num_segments=G)
    cnt = jax.ops.segment_sum(jnp.ones((N,), h.dtype), batch, num_segments=G)
    pooled = sums / jnp.maximum(cnt, 1.0)[:, None]
    return pooled @ fcW + fcb

if __name__ == "__main__":
    import jax
    _d = setup_inputs()
    print(jax.jit(kernel)(*tuple(_d.values())))

</pallas_src>

<mosaic_0001>
#map = affine_map<(d0, d1) -> (0, 0)>
#map1 = affine_map<(d0, d1) -> (0, 0, 0, 0)>
#map2 = affine_map<(d0, d1) -> (0, 0, 0)>
module attributes {stable_mosaic.version = 14 : i64} {
  func.func @_agg_sc_body(%arg0: i32, %arg1: i32, %arg2: memref<10240x128xf32, #tpu.memory_space<hbm>>, %arg3: memref<2x16x80x128xi32, #tpu.memory_space<hbm>>, %arg4: memref<2x16x80x128xi32, #tpu.memory_space<hbm>>, %arg5: memref<10240x128xf32, #tpu.memory_space<hbm>>, %arg6: memref<2x10240x128xf32, #tpu.memory_space<hbm>>, %arg7: memref<40x128xi32, #tpu.memory_space<vmem>>, %arg8: memref<40x128xi32, #tpu.memory_space<vmem>>, %arg9: memref<128x128xf32, #tpu.memory_space<vmem>>, %arg10: memref<128x128xf32, #tpu.memory_space<vmem>>, %arg11: memref<10240x128xf32, #tpu.memory_space<vmem_shared>>, %arg12: memref<!tpu.dma_semaphore, #tpu.memory_space<semaphore_mem>>, %arg13: memref<!tpu.dma_semaphore, #tpu.memory_space<semaphore_mem>>, %arg14: memref<!tpu.dma_semaphore, #tpu.memory_space<semaphore_mem>>, %arg15: memref<!tpu.dma_semaphore, #tpu.memory_space<semaphore_mem>>) attributes {dimension_semantics = [#tpu.dimension_semantics<core_parallel>, #tpu.dimension_semantics<subcore_parallel>], iteration_bounds = array<i64: 2, 16>, scalar_prefetch = 0 : i64, scratch_operands = 9 : i64, tpu.core_type = #tpu.core_type<sc_vector_subcore>, window_params = [{transform_indices = #map}, {transform_indices = #map1}, {transform_indices = #map1}, {transform_indices = #map}, {transform_indices = #map2}]} {
    %mul3A = arith.constant 640 : i32
    %mul3A_0 = arith.muli %arg1, %mul3A : i32
    %mul3A_1 = arith.constant 640 : i32
    %mul3A_2 = arith.muli %arg1, %mul3A_1 : i32
    "tpu.region"() ({
      %run_scoped3A = tpu.sem_alloc : memref<!tpu.dma_semaphore, #tpu.memory_space<semaphore_mem>>
      %dma_start3A = arith.constant 0 : i32
      %dma_start3A_13 = tpu.memref_slice %arg11[%mul3A_2, %dma_start3A] : memref<10240x128xf32, #tpu.memory_space<vmem_shared>> -> memref<640x128xf32, #tpu.memory_space<vmem_shared>>
      %dma_start3A_14 = arith.constant 0 : i32
      %dma_start3A_15 = tpu.memref_slice %arg5[%mul3A_0, %dma_start3A_14] : memref<10240x128xf32, #tpu.memory_space<hbm>> -> memref<640x128xf32, #tpu.memory_space<hbm>>
      tpu.enqueue_dma source(%dma_start3A_15 : memref<640x128xf32, #tpu.memory_space<hbm>>) target(%dma_start3A_13 : memref<640x128xf32, #tpu.memory_space<vmem_shared>>) target_semaphore(%run_scoped3A : memref<!tpu.dma_semaphore, #tpu.memory_space<semaphore_mem>>)
      %dma_wait3A = arith.constant 0 : i32
      %dma_wait3A_16 = tpu.memref_slice %arg11[%mul3A_2, %dma_wait3A] : memref<10240x128xf32, #tpu.memory_space<vmem_shared>> -> memref<640x128xf32, #tpu.memory_space<vmem_shared>>
      %dma_wait3A_17 = arith.constant 0 : i32
      %dma_wait3A_18 = tpu.memref_slice %arg5[%mul3A_0, %dma_wait3A_17] : memref<10240x128xf32, #tpu.memory_space<hbm>> -> memref<640x128xf32, #tpu.memory_space<hbm>>
      tpu.wait_dma2 semaphore(%run_scoped3A : memref<!tpu.dma_semaphore, #tpu.memory_space<semaphore_mem>>) src(%dma_wait3A_18 : memref<640x128xf32, #tpu.memory_space<hbm>>) dst(%dma_wait3A_16 : memref<640x128xf32, #tpu.memory_space<vmem_shared>>)
      tpu.yield
    }) : () -> ()
    %barrier3A = arith.constant 0 : index
    tpu.barrier barrier_id(%barrier3A)
    %scan3A = arith.constant 0 : i32
    %scan3A_3 = arith.constant 0 : i32
    %scan3A_4 = arith.constant 2 : i32
    %scan3A_5 = arith.addi %scan3A_3, %scan3A_4 : i32
    %scan3A_6 = arith.constant 1 : i32
    scf.for %scan3A_13 = %scan3A_3 to %scan3A_5 step %scan3A_6  : i32 {
      %mul3A_14 = arith.constant 40 : i32
      %mul3A_15 = arith.muli %scan3A_13, %mul3A_14 : i32
      "tpu.region"() ({
        %run_scoped3A = tpu.sem_alloc : memref<!tpu.dma_semaphore, #tpu.memory_space<semaphore_mem>>
        %dma_start3A_30 = arith.constant 0 : i32
        %dma_start3A_31 = tpu.memref_slice %arg3[%arg0, %arg1, %mul3A_15, %dma_start3A_30] : memref<2x16x80x128xi32, #tpu.memory_space<hbm>> -> memref<1x1x40x128xi32, #tpu.memory_space<hbm>>
        %dma_start3A_32 = tpu.memref_squeeze %dma_start3A_31 : memref<1x1x40x128xi32, #tpu.memory_space<hbm>> -> memref<40x128xi32, #tpu.memory_space<hbm>>
        %dma_start3A_33 = arith.constant 0 : i32
        %dma_start3A_34 = tpu.memref_slice %arg3[%arg0, %arg1, %mul3A_15, %dma_start3A_33] : memref<2x16x80x128xi32, #tpu.memory_space<hbm>> -> memref<1x1x40x128xi32, #tpu.memory_space<hbm>>
        %dma_start3A_35 = tpu.memref_squeeze %dma_start3A_34 : memref<1x1x40x128xi32, #tpu.memory_space<hbm>> -> memref<40x128xi32, #tpu.memory_space<hbm>>
        tpu.enqueue_dma source(%dma_start3A_35 : memref<40x128xi32, #tpu.memory_space<hbm>>) target(%arg7 : memref<40x128xi32, #tpu.memory_space<vmem>>) target_semaphore(%run_scoped3A : memref<!tpu.dma_semaphore, #tpu.memory_space<semaphore_mem>>)
        %dma_wait3A = arith.constant 0 : i32
        %dma_wait3A_36 = tpu.memref_slice %arg3[%arg0, %arg1, %mul3A_15, %dma_wait3A] : memref<2x16x80x128xi32, #tpu.memory_space<hbm>> -> memref<1x1x40x128xi32, #tpu.memory_space<hbm>>
        %dma_wait3A_37 = tpu.memref_squeeze %dma_wait3A_36 : memref<1x1x40x128xi32, #tpu.memory_space<hbm>> -> memref<40x128xi32, #tpu.memory_space<hbm>>
        %dma_wait3A_38 = arith.constant 0 : i32
        %dma_wait3A_39 = tpu.memref_slice %arg3[%arg0, %arg1, %mul3A_15, %dma_wait3A_38] : memref<2x16x80x128xi32, #tpu.memory_space<hbm>> -> memref<1x1x40x128xi32, #tpu.memory_space<hbm>>
        %dma_wait3A_40 = tpu.memref_squeeze %dma_wait3A_39 : memref<1x1x40x128xi32, #tpu.memory_space<hbm>> -> memref<40x128xi32, #tpu.memory_space<hbm>>
        tpu.wait_dma2 semaphore(%run_scoped3A : memref<!tpu.dma_semaphore, #tpu.memory_space<semaphore_mem>>) src(%dma_wait3A_40 : memref<40x128xi32, #tpu.memory_space<hbm>>) dst(%arg7 : memref<40x128xi32, #tpu.memory_space<vmem>>)
        tpu.yield
      }) : () -> ()
      %mul3A_16 = arith.constant 40 : i32
      %mul3A_17 = arith.muli %scan3A_13, %mul3A_16 : i32
      "tpu.region"() ({
        %run_scoped3A = tpu.sem_alloc : memref<!tpu.dma_semaphore, #tpu.memory_space<semaphore_mem>>
        %dma_start3A_30 = arith.constant 0 : i32
        %dma_start3A_31 = tpu.memref_slice %arg4[%arg0, %arg1, %mul3A_17, %dma_start3A_30] : memref<2x16x80x128xi32, #tpu.memory_space<hbm>> -> memref<1x1x40x128xi32, #tpu.memory_space<hbm>>
        %dma_start3A_32 = tpu.memref_squeeze %dma_start3A_31 : memref<1x1x40x128xi32, #tpu.memory_space<hbm>> -> memref<40x128xi32, #tpu.memory_space<hbm>>
        %dma_start3A_33 = arith.constant 0 : i32
        %dma_start3A_34 = tpu.memref_slice %arg4[%arg0, %arg1, %mul3A_17, %dma_start3A_33] : memref<2x16x80x128xi32, #tpu.memory_space<hbm>> -> memref<1x1x40x128xi32, #tpu.memory_space<hbm>>
        %dma_start3A_35 = tpu.memref_squeeze %dma_start3A_34 : memref<1x1x40x128xi32, #tpu.memory_space<hbm>> -> memref<40x128xi32, #tpu.memory_space<hbm>>
        tpu.enqueue_dma source(%dma_start3A_35 : memref<40x128xi32, #tpu.memory_space<hbm>>) target(%arg8 : memref<40x128xi32, #tpu.memory_space<vmem>>) target_semaphore(%run_scoped3A : memref<!tpu.dma_semaphore, #tpu.memory_space<semaphore_mem>>)
        %dma_wait3A = arith.constant 0 : i32
        %dma_wait3A_36 = tpu.memref_slice %arg4[%arg0, %arg1, %mul3A_17, %dma_wait3A] : memref<2x16x80x128xi32, #tpu.memory_space<hbm>> -> memref<1x1x40x128xi32, #tpu.memory_space<hbm>>
        %dma_wait3A_37 = tpu.memref_squeeze %dma_wait3A_36 : memref<1x1x40x128xi32, #tpu.memory_space<hbm>> -> memref<40x128xi32, #tpu.memory_space<hbm>>
        %dma_wait3A_38 = arith.constant 0 : i32
        %dma_wait3A_39 = tpu.memref_slice %arg4[%arg0, %arg1, %mul3A_17, %dma_wait3A_38] : memref<2x16x80x128xi32, #tpu.memory_space<hbm>> -> memref<1x1x40x128xi32, #tpu.memory_space<hbm>>
        %dma_wait3A_40 = tpu.memref_squeeze %dma_wait3A_39 : memref<1x1x40x128xi32, #tpu.memory_space<hbm>> -> memref<40x128xi32, #tpu.memory_space<hbm>>
        tpu.wait_dma2 semaphore(%run_scoped3A : memref<!tpu.dma_semaphore, #tpu.memory_space<semaphore_mem>>) src(%dma_wait3A_40 : memref<40x128xi32, #tpu.memory_space<hbm>>) dst(%arg8 : memref<40x128xi32, #tpu.memory_space<vmem>>)
        tpu.yield
      }) : () -> ()
      %dma_start3A = arith.constant 0 : i32
      %dma_start3A_18 = arith.constant 0 : i32
      %dma_start3A_19 = tpu.memref_slice %arg7[%dma_start3A, %dma_start3A_18] : memref<40x128xi32, #tpu.memory_space<vmem>> -> memref<1x128xi32, #tpu.memory_space<vmem>>
      %dma_start3A_20 = tpu.memref_squeeze %dma_start3A_19 : memref<1x128xi32, #tpu.memory_space<vmem>> -> memref<128xi32, #tpu.memory_space<vmem>>
      %dma_start3A_21 = arith.constant 0 : i32
      %dma_start3A_22 = arith.constant 0 : i32
      %dma_start3A_23 = tpu.memref_slice %arg2[%dma_start3A_21, %dma_start3A_22] : memref<10240x128xf32, #tpu.memory_space<hbm>> -> memref<10240x128xf32, #tpu.memory_space<hbm>>
      tpu.enqueue_indirect_dma source(%dma_start3A_23 : memref<10240x128xf32, #tpu.memory_space<hbm>>) target(%arg9 : memref<128x128xf32, #tpu.memory_space<vmem>>) offsets(%dma_start3A_20 : memref<128xi32, #tpu.memory_space<vmem>>) semaphore(%arg12 : memref<!tpu.dma_semaphore, #tpu.memory_space<semaphore_mem>>)
      %scan3A_24 = arith.constant 0 : i32
      %scan3A_25 = arith.constant 0 : i32
      %scan3A_26 = arith.constant 20 : i32
      %scan3A_27 = arith.addi %scan3A_25, %scan3A_26 : i32
      %scan3A_28 = arith.constant 1 : i32
      scf.for %scan3A_30 = %scan3A_25 to %scan3A_27 step %scan3A_28  : i32 {
        %mul3A_31 = arith.constant 2 : i32
        %mul3A_32 = arith.muli %mul3A_31, %scan3A_30 : i32
        %add3A = arith.constant 1 : i32
        %add3A_33 = arith.addi %mul3A_32, %add3A : i32
        %dma_wait3A = arith.constant 0 : i32
        %dma_wait3A_34 = tpu.memref_slice %arg7[%mul3A_32, %dma_wait3A] : memref<40x128xi32, #tpu.memory_space<vmem>> -> memref<1x128xi32, #tpu.memory_space<vmem>>
        %dma_wait3A_35 = tpu.memref_squeeze %dma_wait3A_34 : memref<1x128xi32, #tpu.memory_space<vmem>> -> memref<128xi32, #tpu.memory_space<vmem>>
        %dma_wait3A_36 = arith.constant 0 : i32
        %dma_wait3A_37 = arith.constant 0 : i32
        %dma_wait3A_38 = tpu.memref_slice %arg2[%dma_wait3A_36, %dma_wait3A_37] : memref<10240x128xf32, #tpu.memory_space<hbm>> -> memref<10240x128xf32, #tpu.memory_space<hbm>>
        tpu.wait_indirect_dma semaphore(%arg12 : memref<!tpu.dma_semaphore, #tpu.memory_space<semaphore_mem>>) src(%dma_wait3A_38 : memref<10240x128xf32, #tpu.memory_space<hbm>>) dst(%arg9 : memref<128x128xf32, #tpu.memory_space<vmem>>)
        %dma_start3A_39 = arith.constant 0 : i32
        %dma_start3A_40 = tpu.memref_slice %arg7[%add3A_33, %dma_start3A_39] : memref<40x128xi32, #tpu.memory_space<vmem>> -> memref<1x128xi32, #tpu.memory_space<vmem>>
        %dma_start3A_41 = tpu.memref_squeeze %dma_start3A_40 : memref<1x128xi32, #tpu.memory_space<vmem>> -> memref<128xi32, #tpu.memory_space<vmem>>
        %dma_start3A_42 = arith.constant 0 : i32
        %dma_start3A_43 = arith.constant 0 : i32
        %dma_start3A_44 = tpu.memref_slice %arg2[%dma_start3A_42, %dma_start3A_43] : memref<10240x128xf32, #tpu.memory_space<hbm>> -> memref<10240x128xf32, #tpu.memory_space<hbm>>
        tpu.enqueue_indirect_dma source(%dma_start3A_44 : memref<10240x128xf32, #tpu.memory_space<hbm>>) target(%arg10 : memref<128x128xf32, #tpu.memory_space<vmem>>) offsets(%dma_start3A_41 : memref<128xi32, #tpu.memory_space<vmem>>) semaphore(%arg13 : memref<!tpu.dma_semaphore, #tpu.memory_space<semaphore_mem>>)
        "tpu.region"() ({
          %run_scoped3A = tpu.sem_alloc : memref<!tpu.dma_semaphore, #tpu.memory_space<semaphore_mem>>
          %dma_start3A_53 = arith.constant 0 : i32
          %dma_start3A_54 = tpu.memref_slice %arg8[%mul3A_32, %dma_start3A_53] : memref<40x128xi32, #tpu.memory_space<vmem>> -> memref<1x128xi32, #tpu.memory_space<vmem>>
          %dma_start3A_55 = tpu.memref_squeeze %dma_start3A_54 : memref<1x128xi32, #tpu.memory_space<vmem>> -> memref<128xi32, #tpu.memory_space<vmem>>
          %dma_start3A_56 = arith.constant 0 : i32
          %dma_start3A_57 = arith.constant 0 : i32
          %dma_start3A_58 = tpu.memref_slice %arg11[%dma_start3A_56, %dma_start3A_57] : memref<10240x128xf32, #tpu.memory_space<vmem_shared>> -> memref<10240x128xf32, #tpu.memory_space<vmem_shared>>
          tpu.enqueue_indirect_dma source(%arg9 : memref<128x128xf32, #tpu.memory_space<vmem>>) target(%dma_start3A_58 : memref<10240x128xf32, #tpu.memory_space<vmem_shared>>) offsets(%dma_start3A_55 : memref<128xi32, #tpu.memory_space<vmem>>) semaphore(%run_scoped3A : memref<!tpu.dma_semaphore, #tpu.memory_space<semaphore_mem>>) {add = true}
          %dma_wait3A_59 = arith.constant 0 : i32
          %dma_wait3A_60 = tpu.memref_slice %arg8[%mul3A_32, %dma_wait3A_59] : memref<40x128xi32, #tpu.memory_space<vmem>> -> memref<1x128xi32, #tpu.memory_space<vmem>>
          %dma_wait3A_61 = tpu.memref_squeeze %dma_wait3A_60 : memref<1x128xi32, #tpu.memory_space<vmem>> -> memref<128xi32, #tpu.memory_space<vmem>>
          %dma_wait3A_62 = arith.constant 0 : i32
          %dma_wait3A_63 = arith.constant 0 : i32
          %dma_wait3A_64 = tpu.memref_slice %arg11[%dma_wait3A_62, %dma_wait3A_63] : memref<10240x128xf32, #tpu.memory_space<vmem_shared>> -> memref<10240x128xf32, #tpu.memory_space<vmem_shared>>
          tpu.wait_indirect_dma semaphore(%run_scoped3A : memref<!tpu.dma_semaphore, #tpu.memory_space<semaphore_mem>>) src(%arg9 : memref<128x128xf32, #tpu.memory_space<vmem>>) dst(%dma_wait3A_64 : memref<10240x128xf32, #tpu.memory_space<vmem_shared>>)
          tpu.yield
        }) : () -> ()
        %dma_wait3A_45 = arith.constant 0 : i32
        %dma_wait3A_46 = tpu.memref_slice %arg7[%add3A_33, %dma_wait3A_45] : memref<40x128xi32, #tpu.memory_space<vmem>> -> memref<1x128xi32, #tpu.memory_space<vmem>>
        %dma_wait3A_47 = tpu.memref_squeeze %dma_wait3A_46 : memref<1x128xi32, #tpu.memory_space<vmem>> -> memref<128xi32, #tpu.memory_space<vmem>>
        %dma_wait3A_48 = arith.constant 0 : i32
        %dma_wait3A_49 = arith.constant 0 : i32
        %dma_wait3A_50 = tpu.memref_slice %arg2[%dma_wait3A_48, %dma_wait3A_49] : memref<10240x128xf32, #tpu.memory_space<hbm>> -> memref<10240x128xf32, #tpu.memory_space<hbm>>
        tpu.wait_indirect_dma semaphore(%arg13 : memref<!tpu.dma_semaphore, #tpu.memory_space<semaphore_mem>>) src(%dma_wait3A_50 : memref<10240x128xf32, #tpu.memory_space<hbm>>) dst(%arg10 : memref<128x128xf32, #tpu.memory_space<vmem>>)
        %lt3A = arith.constant 19 : i32
        %lt3A_51 = arith.cmpi slt, %scan3A_30, %lt3A : i32
        %convert_element_type3A = arith.extui %lt3A_51 : i1 to i32
        %cond3A = arith.constant 0 : i32
        %cond3A_52 = arith.cmpi ne, %convert_element_type3A, %cond3A : i32
        scf.if %cond3A_52 {
          %add3A_53 = arith.constant 2 : i32
          %add3A_54 = arith.addi %mul3A_32, %add3A_53 : i32
          %dma_start3A_55 = arith.constant 0 : i32
          %dma_start3A_56 = tpu.memref_slice %arg7[%add3A_54, %dma_start3A_55] : memref<40x128xi32, #tpu.memory_space<vmem>> -> memref<1x128xi32, #tpu.memory_space<vmem>>
          %dma_start3A_57 = tpu.memref_squeeze %dma_start3A_56 : memref<1x128xi32, #tpu.memory_space<vmem>> -> memref<128xi32, #tpu.memory_space<vmem>>
          %dma_start3A_58 = arith.constant 0 : i32
          %dma_start3A_59 = arith.constant 0 : i32
          %dma_start3A_60 = tpu.memref_slice %arg2[%dma_start3A_58, %dma_start3A_59] : memref<10240x128xf32, #tpu.memory_space<hbm>> -> memref<10240x128xf32, #tpu.memory_space<hbm>>
          tpu.enqueue_indirect_dma source(%dma_start3A_60 : memref<10240x128xf32, #tpu.memory_space<hbm>>) target(%arg9 : memref<128x128xf32, #tpu.memory_space<vmem>>) offsets(%dma_start3A_57 : memref<128xi32, #tpu.memory_space<vmem>>) semaphore(%arg12 : memref<!tpu.dma_semaphore, #tpu.memory_space<semaphore_mem>>)
        } else {
        }
        "tpu.region"() ({
          %run_scoped3A = tpu.sem_alloc : memref<!tpu.dma_semaphore, #tpu.memory_space<semaphore_mem>>
          %dma_start3A_53 = arith.constant 0 : i32
          %dma_start3A_54 = tpu.memref_slice %arg8[%add3A_33, %dma_start3A_53] : memref<40x128xi32, #tpu.memory_space<vmem>> -> memref<1x128xi32, #tpu.memory_space<vmem>>
          %dma_start3A_55 = tpu.memref_squeeze %dma_start3A_54 : memref<1x128xi32, #tpu.memory_space<vmem>> -> memref<128xi32, #tpu.memory_space<vmem>>
          %dma_start3A_56 = arith.constant 0 : i32
          %dma_start3A_57 = arith.constant 0 : i32
          %dma_start3A_58 = tpu.memref_slice %arg11[%dma_start3A_56, %dma_start3A_57] : memref<10240x128xf32, #tpu.memory_space<vmem_shared>> -> memref<10240x128xf32, #tpu.memory_space<vmem_shared>>
          tpu.enqueue_indirect_dma source(%arg10 : memref<128x128xf32, #tpu.memory_space<vmem>>) target(%dma_start3A_58 : memref<10240x128xf32, #tpu.memory_space<vmem_shared>>) offsets(%dma_start3A_55 : memref<128xi32, #tpu.memory_space<vmem>>) semaphore(%run_scoped3A : memref<!tpu.dma_semaphore, #tpu.memory_space<semaphore_mem>>) {add = true}
          %dma_wait3A_59 = arith.constant 0 : i32
          %dma_wait3A_60 = tpu.memref_slice %arg8[%add3A_33, %dma_wait3A_59] : memref<40x128xi32, #tpu.memory_space<vmem>> -> memref<1x128xi32, #tpu.memory_space<vmem>>
          %dma_wait3A_61 = tpu.memref_squeeze %dma_wait3A_60 : memref<1x128xi32, #tpu.memory_space<vmem>> -> memref<128xi32, #tpu.memory_space<vmem>>
          %dma_wait3A_62 = arith.constant 0 : i32
          %dma_wait3A_63 = arith.constant 0 : i32
          %dma_wait3A_64 = tpu.memref_slice %arg11[%dma_wait3A_62, %dma_wait3A_63] : memref<10240x128xf32, #tpu.memory_space<vmem_shared>> -> memref<10240x128xf32, #tpu.memory_space<vmem_shared>>
          tpu.wait_indirect_dma semaphore(%run_scoped3A : memref<!tpu.dma_semaphore, #tpu.memory_space<semaphore_mem>>) src(%arg10 : memref<128x128xf32, #tpu.memory_space<vmem>>) dst(%dma_wait3A_64 : memref<10240x128xf32, #tpu.memory_space<vmem_shared>>)
          tpu.yield
        }) : () -> ()
      }
      %scan3A_29 = arith.constant 20 : i32
    }
    %scan3A_7 = arith.constant 2 : i32
    %barrier3A_8 = arith.constant 0 : index
    tpu.barrier barrier_id(%barrier3A_8)
    %mul3A_9 = arith.constant 640 : i32
    %mul3A_10 = arith.muli %arg1, %mul3A_9 : i32
    %mul3A_11 = arith.constant 640 : i32
    %mul3A_12 = arith.muli %arg1, %mul3A_11 : i32
    "tpu.region"() ({
      %run_scoped3A = tpu.sem_alloc : memref<!tpu.dma_semaphore, #tpu.memory_space<semaphore_mem>>
      %dma_start3A = arith.constant 0 : i32
      %dma_start3A_13 = tpu.memref_slice %arg6[%arg0, %mul3A_12, %dma_start3A] : memref<2x10240x128xf32, #tpu.memory_space<hbm>> -> memref<1x640x128xf32, #tpu.memory_space<hbm>>
      %dma_start3A_14 = tpu.memref_squeeze %dma_start3A_13 : memref<1x640x128xf32, #tpu.memory_space<hbm>> -> memref<640x128xf32, #tpu.memory_space<hbm>>
      %dma_start3A_15 = arith.constant 0 : i32
      %dma_start3A_16 = tpu.memref_slice %arg11[%mul3A_10, %dma_start3A_15] : memref<10240x128xf32, #tpu.memory_space<vmem_shared>> -> memref<640x128xf32, #tpu.memory_space<vmem_shared>>
      tpu.enqueue_dma source(%dma_start3A_16 : memref<640x128xf32, #tpu.memory_space<vmem_shared>>) target(%dma_start3A_14 : memref<640x128xf32, #tpu.memory_space<hbm>>) target_semaphore(%run_scoped3A : memref<!tpu.dma_semaphore, #tpu.memory_space<semaphore_mem>>)
      %dma_wait3A = arith.constant 0 : i32
      %dma_wait3A_17 = tpu.memref_slice %arg6[%arg0, %mul3A_12, %dma_wait3A] : memref<2x10240x128xf32, #tpu.memory_space<hbm>> -> memref<1x640x128xf32, #tpu.memory_space<hbm>>
      %dma_wait3A_18 = tpu.memref_squeeze %dma_wait3A_17 : memref<1x640x128xf32, #tpu.memory_space<hbm>> -> memref<640x128xf32, #tpu.memory_space<hbm>>
      %dma_wait3A_19 = arith.constant 0 : i32
      %dma_wait3A_20 = tpu.memref_slice %arg11[%mul3A_10, %dma_wait3A_19] : memref<10240x128xf32, #tpu.memory_space<vmem_shared>> -> memref<640x128xf32, #tpu.memory_space<vmem_shared>>
      tpu.wait_dma2 semaphore(%run_scoped3A : memref<!tpu.dma_semaphore, #tpu.memory_space<semaphore_mem>>) src(%dma_wait3A_20 : memref<640x128xf32, #tpu.memory_space<vmem_shared>>) dst(%dma_wait3A_18 : memref<640x128xf32, #tpu.memory_space<hbm>>)
      tpu.yield
    }) : () -> ()
    return
  }
}

#map = affine_map<(d0, d1) -> (0, 0)>
#map1 = affine_map<(d0, d1) -> (0, 0, 0, 0)>
#map2 = affine_map<(d0, d1) -> (0, 0, 0)>
module attributes {stable_mosaic.version = 14 : i64} {
  func.func @_agg_sc_body(%arg0: i32, %arg1: i32, %arg2: memref<10240x128xf32, #tpu.memory_space<hbm>>, %arg3: memref<2x16x80x128xi32, #tpu.memory_space<hbm>>, %arg4: memref<2x16x80x128xi32, #tpu.memory_space<hbm>>, %arg5: memref<10240x128xf32, #tpu.memory_space<hbm>>, %arg6: memref<2x10240x128xf32, #tpu.memory_space<hbm>>, %arg7: memref<40x128xi32, #tpu.memory_space<vmem>>, %arg8: memref<40x128xi32, #tpu.memory_space<vmem>>, %arg9: memref<128x128xf32, #tpu.memory_space<vmem>>, %arg10: memref<128x128xf32, #tpu.memory_space<vmem>>, %arg11: memref<10240x128xf32, #tpu.memory_space<vmem_shared>>, %arg12: memref<!tpu.dma_semaphore, #tpu.memory_space<semaphore_mem>>, %arg13: memref<!tpu.dma_semaphore, #tpu.memory_space<semaphore_mem>>, %arg14: memref<!tpu.dma_semaphore, #tpu.memory_space<semaphore_mem>>, %arg15: memref<!tpu.dma_semaphore, #tpu.memory_space<semaphore_mem>>) attributes {dimension_semantics = [#tpu.dimension_semantics<core_parallel>, #tpu.dimension_semantics<subcore_parallel>], iteration_bounds = array<i64: 2, 16>, scalar_prefetch = 0 : i64, scratch_operands = 9 : i64, tpu.core_type = #tpu.core_type<sc_vector_subcore>, window_params = [{transform_indices = #map}, {transform_indices = #map1}, {transform_indices = #map1}, {transform_indices = #map}, {transform_indices = #map2}]} {
    %mul3A = arith.constant 640 : i32
    %mul3A_0 = arith.muli %arg1, %mul3A : i32
    %mul3A_1 = arith.constant 640 : i32
    %mul3A_2 = arith.muli %arg1, %mul3A_1 : i32
    "tpu.region"() ({
      %run_scoped3A = tpu.sem_alloc : memref<!tpu.dma_semaphore, #tpu.memory_space<semaphore_mem>>
      %dma_start3A = arith.constant 0 : i32
      %dma_start3A_13 = tpu.memref_slice %arg11[%mul3A_2, %dma_start3A] : memref<10240x128xf32, #tpu.memory_space<vmem_shared>> -> memref<640x128xf32, #tpu.memory_space<vmem_shared>>
      %dma_start3A_14 = arith.constant 0 : i32
      %dma_start3A_15 = tpu.memref_slice %arg5[%mul3A_0, %dma_start3A_14] : memref<10240x128xf32, #tpu.memory_space<hbm>> -> memref<640x128xf32, #tpu.memory_space<hbm>>
      tpu.enqueue_dma source(%dma_start3A_15 : memref<640x128xf32, #tpu.memory_space<hbm>>) target(%dma_start3A_13 : memref<640x128xf32, #tpu.memory_space<vmem_shared>>) target_semaphore(%run_scoped3A : memref<!tpu.dma_semaphore, #tpu.memory_space<semaphore_mem>>)
      %dma_wait3A = arith.constant 0 : i32
      %dma_wait3A_16 = tpu.memref_slice %arg11[%mul3A_2, %dma_wait3A] : memref<10240x128xf32, #tpu.memory_space<vmem_shared>> -> memref<640x128xf32, #tpu.memory_space<vmem_shared>>
      %dma_wait3A_17 = arith.constant 0 : i32
      %dma_wait3A_18 = tpu.memref_slice %arg5[%mul3A_0, %dma_wait3A_17] : memref<10240x128xf32, #tpu.memory_space<hbm>> -> memref<640x128xf32, #tpu.memory_space<hbm>>
      tpu.wait_dma2 semaphore(%run_scoped3A : memref<!tpu.dma_semaphore, #tpu.memory_space<semaphore_mem>>) src(%dma_wait3A_18 : memref<640x128xf32, #tpu.memory_space<hbm>>) dst(%dma_wait3A_16 : memref<640x128xf32, #tpu.memory_space<vmem_shared>>)
      tpu.yield
    }) : () -> ()
    %barrier3A = arith.constant 0 : index
    tpu.barrier barrier_id(%barrier3A)
    %scan3A = arith.constant 0 : i32
    %scan3A_3 = arith.constant 0 : i32
    %scan3A_4 = arith.constant 2 : i32
    %scan3A_5 = arith.addi %scan3A_3, %scan3A_4 : i32
    %scan3A_6 = arith.constant 1 : i32
    scf.for %scan3A_13 = %scan3A_3 to %scan3A_5 step %scan3A_6  : i32 {
      %mul3A_14 = arith.constant 40 : i32
      %mul3A_15 = arith.muli %scan3A_13, %mul3A_14 : i32
      "tpu.region"() ({
        %run_scoped3A = tpu.sem_alloc : memref<!tpu.dma_semaphore, #tpu.memory_space<semaphore_mem>>
        %dma_start3A_30 = arith.constant 0 : i32
        %dma_start3A_31 = tpu.memref_slice %arg3[%arg0, %arg1, %mul3A_15, %dma_start3A_30] : memref<2x16x80x128xi32, #tpu.memory_space<hbm>> -> memref<1x1x40x128xi32, #tpu.memory_space<hbm>>
        %dma_start3A_32 = tpu.memref_squeeze %dma_start3A_31 : memref<1x1x40x128xi32, #tpu.memory_space<hbm>> -> memref<40x128xi32, #tpu.memory_space<hbm>>
        %dma_start3A_33 = arith.constant 0 : i32
        %dma_start3A_34 = tpu.memref_slice %arg3[%arg0, %arg1, %mul3A_15, %dma_start3A_33] : memref<2x16x80x128xi32, #tpu.memory_space<hbm>> -> memref<1x1x40x128xi32, #tpu.memory_space<hbm>>
        %dma_start3A_35 = tpu.memref_squeeze %dma_start3A_34 : memref<1x1x40x128xi32, #tpu.memory_space<hbm>> -> memref<40x128xi32, #tpu.memory_space<hbm>>
        tpu.enqueue_dma source(%dma_start3A_35 : memref<40x128xi32, #tpu.memory_space<hbm>>) target(%arg7 : memref<40x128xi32, #tpu.memory_space<vmem>>) target_semaphore(%run_scoped3A : memref<!tpu.dma_semaphore, #tpu.memory_space<semaphore_mem>>)
        %dma_wait3A = arith.constant 0 : i32
        %dma_wait3A_36 = tpu.memref_slice %arg3[%arg0, %arg1, %mul3A_15, %dma_wait3A] : memref<2x16x80x128xi32, #tpu.memory_space<hbm>> -> memref<1x1x40x128xi32, #tpu.memory_space<hbm>>
        %dma_wait3A_37 = tpu.memref_squeeze %dma_wait3A_36 : memref<1x1x40x128xi32, #tpu.memory_space<hbm>> -> memref<40x128xi32, #tpu.memory_space<hbm>>
        %dma_wait3A_38 = arith.constant 0 : i32
        %dma_wait3A_39 = tpu.memref_slice %arg3[%arg0, %arg1, %mul3A_15, %dma_wait3A_38] : memref<2x16x80x128xi32, #tpu.memory_space<hbm>> -> memref<1x1x40x128xi32, #tpu.memory_space<hbm>>
        %dma_wait3A_40 = tpu.memref_squeeze %dma_wait3A_39 : memref<1x1x40x128xi32, #tpu.memory_space<hbm>> -> memref<40x128xi32, #tpu.memory_space<hbm>>
        tpu.wait_dma2 semaphore(%run_scoped3A : memref<!tpu.dma_semaphore, #tpu.memory_space<semaphore_mem>>) src(%dma_wait3A_40 : memref<40x128xi32, #tpu.memory_space<hbm>>) dst(%arg7 : memref<40x128xi32, #tpu.memory_space<vmem>>)
        tpu.yield
      }) : () -> ()
      %mul3A_16 = arith.constant 40 : i32
      %mul3A_17 = arith.muli %scan3A_13, %mul3A_16 : i32
      "tpu.region"() ({
        %run_scoped3A = tpu.sem_alloc : memref<!tpu.dma_semaphore, #tpu.memory_space<semaphore_mem>>
        %dma_start3A_30 = arith.constant 0 : i32
        %dma_start3A_31 = tpu.memref_slice %arg4[%arg0, %arg1, %mul3A_17, %dma_start3A_30] : memref<2x16x80x128xi32, #tpu.memory_space<hbm>> -> memref<1x1x40x128xi32, #tpu.memory_space<hbm>>
        %dma_start3A_32 = tpu.memref_squeeze %dma_start3A_31 : memref<1x1x40x128xi32, #tpu.memory_space<hbm>> -> memref<40x128xi32, #tpu.memory_space<hbm>>
        %dma_start3A_33 = arith.constant 0 : i32
        %dma_start3A_34 = tpu.memref_slice %arg4[%arg0, %arg1, %mul3A_17, %dma_start3A_33] : memref<2x16x80x128xi32, #tpu.memory_space<hbm>> -> memref<1x1x40x128xi32, #tpu.memory_space<hbm>>
        %dma_start3A_35 = tpu.memref_squeeze %dma_start3A_34 : memref<1x1x40x128xi32, #tpu.memory_space<hbm>> -> memref<40x128xi32, #tpu.memory_space<hbm>>
        tpu.enqueue_dma source(%dma_start3A_35 : memref<40x128xi32, #tpu.memory_space<hbm>>) target(%arg8 : memref<40x128xi32, #tpu.memory_space<vmem>>) target_semaphore(%run_scoped3A : memref<!tpu.dma_semaphore, #tpu.memory_space<semaphore_mem>>)
        %dma_wait3A = arith.constant 0 : i32
        %dma_wait3A_36 = tpu.memref_slice %arg4[%arg0, %arg1, %mul3A_17, %dma_wait3A] : memref<2x16x80x128xi32, #tpu.memory_space<hbm>> -> memref<1x1x40x128xi32, #tpu.memory_space<hbm>>
        %dma_wait3A_37 = tpu.memref_squeeze %dma_wait3A_36 : memref<1x1x40x128xi32, #tpu.memory_space<hbm>> -> memref<40x128xi32, #tpu.memory_space<hbm>>
        %dma_wait3A_38 = arith.constant 0 : i32
        %dma_wait3A_39 = tpu.memref_slice %arg4[%arg0, %arg1, %mul3A_17, %dma_wait3A_38] : memref<2x16x80x128xi32, #tpu.memory_space<hbm>> -> memref<1x1x40x128xi32, #tpu.memory_space<hbm>>
        %dma_wait3A_40 = tpu.memref_squeeze %dma_wait3A_39 : memref<1x1x40x128xi32, #tpu.memory_space<hbm>> -> memref<40x128xi32, #tpu.memory_space<hbm>>
        tpu.wait_dma2 semaphore(%run_scoped3A : memref<!tpu.dma_semaphore, #tpu.memory_space<semaphore_mem>>) src(%dma_wait3A_40 : memref<40x128xi32, #tpu.memory_space<hbm>>) dst(%arg8 : memref<40x128xi32, #tpu.memory_space<vmem>>)
        tpu.yield
      }) : () -> ()
      %dma_start3A = arith.constant 0 : i32
      %dma_start3A_18 = arith.constant 0 : i32
      %dma_start3A_19 = tpu.memref_slice %arg7[%dma_start3A, %dma_start3A_18] : memref<40x128xi32, #tpu.memory_space<vmem>> -> memref<1x128xi32, #tpu.memory_space<vmem>>
      %dma_start3A_20 = tpu.memref_squeeze %dma_start3A_19 : memref<1x128xi32, #tpu.memory_space<vmem>> -> memref<128xi32, #tpu.memory_space<vmem>>
      %dma_start3A_21 = arith.constant 0 : i32
      %dma_start3A_22 = arith.constant 0 : i32
      %dma_start3A_23 = tpu.memref_slice %arg2[%dma_start3A_21, %dma_start3A_22] : memref<10240x128xf32, #tpu.memory_space<hbm>> -> memref<10240x128xf32, #tpu.memory_space<hbm>>
      tpu.enqueue_indirect_dma source(%dma_start3A_23 : memref<10240x128xf32, #tpu.memory_space<hbm>>) target(%arg9 : memref<128x128xf32, #tpu.memory_space<vmem>>) offsets(%dma_start3A_20 : memref<128xi32, #tpu.memory_space<vmem>>) semaphore(%arg12 : memref<!tpu.dma_semaphore, #tpu.memory_space<semaphore_mem>>)
      %scan3A_24 = arith.constant 0 : i32
      %scan3A_25 = arith.constant 0 : i32
      %scan3A_26 = arith.constant 20 : i32
      %scan3A_27 = arith.addi %scan3A_25, %scan3A_26 : i32
      %scan3A_28 = arith.constant 1 : i32
      scf.for %scan3A_30 = %scan3A_25 to %scan3A_27 step %scan3A_28  : i32 {
        %mul3A_31 = arith.constant 2 : i32
        %mul3A_32 = arith.muli %mul3A_31, %scan3A_30 : i32
        %add3A = arith.constant 1 : i32
        %add3A_33 = arith.addi %mul3A_32, %add3A : i32
        %dma_wait3A = arith.constant 0 : i32
        %dma_wait3A_34 = tpu.memref_slice %arg7[%mul3A_32, %dma_wait3A] : memref<40x128xi32, #tpu.memory_space<vmem>> -> memref<1x128xi32, #tpu.memory_space<vmem>>
        %dma_wait3A_35 = tpu.memref_squeeze %dma_wait3A_34 : memref<1x128xi32, #tpu.memory_space<vmem>> -> memref<128xi32, #tpu.memory_space<vmem>>
        %dma_wait3A_36 = arith.constant 0 : i32
        %dma_wait3A_37 = arith.constant 0 : i32
        %dma_wait3A_38 = tpu.memref_slice %arg2[%dma_wait3A_36, %dma_wait3A_37] : memref<10240x128xf32, #tpu.memory_space<hbm>> -> memref<10240x128xf32, #tpu.memory_space<hbm>>
        tpu.wait_indirect_dma semaphore(%arg12 : memref<!tpu.dma_semaphore, #tpu.memory_space<semaphore_mem>>) src(%dma_wait3A_38 : memref<10240x128xf32, #tpu.memory_space<hbm>>) dst(%arg9 : memref<128x128xf32, #tpu.memory_space<vmem>>)
        %dma_start3A_39 = arith.constant 0 : i32
        %dma_start3A_40 = tpu.memref_slice %arg7[%add3A_33, %dma_start3A_39] : memref<40x128xi32, #tpu.memory_space<vmem>> -> memref<1x128xi32, #tpu.memory_space<vmem>>
        %dma_start3A_41 = tpu.memref_squeeze %dma_start3A_40 : memref<1x128xi32, #tpu.memory_space<vmem>> -> memref<128xi32, #tpu.memory_space<vmem>>
        %dma_start3A_42 = arith.constant 0 : i32
        %dma_start3A_43 = arith.constant 0 : i32
        %dma_start3A_44 = tpu.memref_slice %arg2[%dma_start3A_42, %dma_start3A_43] : memref<10240x128xf32, #tpu.memory_space<hbm>> -> memref<10240x128xf32, #tpu.memory_space<hbm>>
        tpu.enqueue_indirect_dma source(%dma_start3A_44 : memref<10240x128xf32, #tpu.memory_space<hbm>>) target(%arg10 : memref<128x128xf32, #tpu.memory_space<vmem>>) offsets(%dma_start3A_41 : memref<128xi32, #tpu.memory_space<vmem>>) semaphore(%arg13 : memref<!tpu.dma_semaphore, #tpu.memory_space<semaphore_mem>>)
        "tpu.region"() ({
          %run_scoped3A = tpu.sem_alloc : memref<!tpu.dma_semaphore, #tpu.memory_space<semaphore_mem>>
          %dma_start3A_53 = arith.constant 0 : i32
          %dma_start3A_54 = tpu.memref_slice %arg8[%mul3A_32, %dma_start3A_53] : memref<40x128xi32, #tpu.memory_space<vmem>> -> memref<1x128xi32, #tpu.memory_space<vmem>>
          %dma_start3A_55 = tpu.memref_squeeze %dma_start3A_54 : memref<1x128xi32, #tpu.memory_space<vmem>> -> memref<128xi32, #tpu.memory_space<vmem>>
          %dma_start3A_56 = arith.constant 0 : i32
          %dma_start3A_57 = arith.constant 0 : i32
          %dma_start3A_58 = tpu.memref_slice %arg11[%dma_start3A_56, %dma_start3A_57] : memref<10240x128xf32, #tpu.memory_space<vmem_shared>> -> memref<10240x128xf32, #tpu.memory_space<vmem_shared>>
          tpu.enqueue_indirect_dma source(%arg9 : memref<128x128xf32, #tpu.memory_space<vmem>>) target(%dma_start3A_58 : memref<10240x128xf32, #tpu.memory_space<vmem_shared>>) offsets(%dma_start3A_55 : memref<128xi32, #tpu.memory_space<vmem>>) semaphore(%run_scoped3A : memref<!tpu.dma_semaphore, #tpu.memory_space<semaphore_mem>>) {add = true}
          %dma_wait3A_59 = arith.constant 0 : i32
          %dma_wait3A_60 = tpu.memref_slice %arg8[%mul3A_32, %dma_wait3A_59] : memref<40x128xi32, #tpu.memory_space<vmem>> -> memref<1x128xi32, #tpu.memory_space<vmem>>
          %dma_wait3A_61 = tpu.memref_squeeze %dma_wait3A_60 : memref<1x128xi32, #tpu.memory_space<vmem>> -> memref<128xi32, #tpu.memory_space<vmem>>
          %dma_wait3A_62 = arith.constant 0 : i32
          %dma_wait3A_63 = arith.constant 0 : i32
          %dma_wait3A_64 = tpu.memref_slice %arg11[%dma_wait3A_62, %dma_wait3A_63] : memref<10240x128xf32, #tpu.memory_space<vmem_shared>> -> memref<10240x128xf32, #tpu.memory_space<vmem_shared>>
          tpu.wait_indirect_dma semaphore(%run_scoped3A : memref<!tpu.dma_semaphore, #tpu.memory_space<semaphore_mem>>) src(%arg9 : memref<128x128xf32, #tpu.memory_space<vmem>>) dst(%dma_wait3A_64 : memref<10240x128xf32, #tpu.memory_space<vmem_shared>>)
          tpu.yield
        }) : () -> ()
        %dma_wait3A_45 = arith.constant 0 : i32
        %dma_wait3A_46 = tpu.memref_slice %arg7[%add3A_33, %dma_wait3A_45] : memref<40x128xi32, #tpu.memory_space<vmem>> -> memref<1x128xi32, #tpu.memory_space<vmem>>
        %dma_wait3A_47 = tpu.memref_squeeze %dma_wait3A_46 : memref<1x128xi32, #tpu.memory_space<vmem>> -> memref<128xi32, #tpu.memory_space<vmem>>
        %dma_wait3A_48 = arith.constant 0 : i32
        %dma_wait3A_49 = arith.constant 0 : i32
        %dma_wait3A_50 = tpu.memref_slice %arg2[%dma_wait3A_48, %dma_wait3A_49] : memref<10240x128xf32, #tpu.memory_space<hbm>> -> memref<10240x128xf32, #tpu.memory_space<hbm>>
        tpu.wait_indirect_dma semaphore(%arg13 : memref<!tpu.dma_semaphore, #tpu.memory_space<semaphore_mem>>) src(%dma_wait3A_50 : memref<10240x128xf32, #tpu.memory_space<hbm>>) dst(%arg10 : memref<128x128xf32, #tpu.memory_space<vmem>>)
        %lt3A = arith.constant 19 : i32
        %lt3A_51 = arith.cmpi slt, %scan3A_30, %lt3A : i32
        %convert_element_type3A = arith.extui %lt3A_51 : i1 to i32
        %cond3A = arith.constant 0 : i32
        %cond3A_52 = arith.cmpi ne, %convert_element_type3A, %cond3A : i32
        scf.if %cond3A_52 {
          %add3A_53 = arith.constant 2 : i32
          %add3A_54 = arith.addi %mul3A_32, %add3A_53 : i32
          %dma_start3A_55 = arith.constant 0 : i32
          %dma_start3A_56 = tpu.memref_slice %arg7[%add3A_54, %dma_start3A_55] : memref<40x128xi32, #tpu.memory_space<vmem>> -> memref<1x128xi32, #tpu.memory_space<vmem>>
          %dma_start3A_57 = tpu.memref_squeeze %dma_start3A_56 : memref<1x128xi32, #tpu.memory_space<vmem>> -> memref<128xi32, #tpu.memory_space<vmem>>
          %dma_start3A_58 = arith.constant 0 : i32
          %dma_start3A_59 = arith.constant 0 : i32
          %dma_start3A_60 = tpu.memref_slice %arg2[%dma_start3A_58, %dma_start3A_59] : memref<10240x128xf32, #tpu.memory_space<hbm>> -> memref<10240x128xf32, #tpu.memory_space<hbm>>
          tpu.enqueue_indirect_dma source(%dma_start3A_60 : memref<10240x128xf32, #tpu.memory_space<hbm>>) target(%arg9 : memref<128x128xf32, #tpu.memory_space<vmem>>) offsets(%dma_start3A_57 : memref<128xi32, #tpu.memory_space<vmem>>) semaphore(%arg12 : memref<!tpu.dma_semaphore, #tpu.memory_space<semaphore_mem>>)
        } else {
        }
        "tpu.region"() ({
          %run_scoped3A = tpu.sem_alloc : memref<!tpu.dma_semaphore, #tpu.memory_space<semaphore_mem>>
          %dma_start3A_53 = arith.constant 0 : i32
          %dma_start3A_54 = tpu.memref_slice %arg8[%add3A_33, %dma_start3A_53] : memref<40x128xi32, #tpu.memory_space<vmem>> -> memref<1x128xi32, #tpu.memory_space<vmem>>
          %dma_start3A_55 = tpu.memref_squeeze %dma_start3A_54 : memref<1x128xi32, #tpu.memory_space<vmem>> -> memref<128xi32, #tpu.memory_space<vmem>>
          %dma_start3A_56 = arith.constant 0 : i32
          %dma_start3A_57 = arith.constant 0 : i32
          %dma_start3A_58 = tpu.memref_slice %arg11[%dma_start3A_56, %dma_start3A_57] : memref<10240x128xf32, #tpu.memory_space<vmem_shared>> -> memref<10240x128xf32, #tpu.memory_space<vmem_shared>>
          tpu.enqueue_indirect_dma source(%arg10 : memref<128x128xf32, #tpu.memory_space<vmem>>) target(%dma_start3A_58 : memref<10240x128xf32, #tpu.memory_space<vmem_shared>>) offsets(%dma_start3A_55 : memref<128xi32, #tpu.memory_space<vmem>>) semaphore(%run_scoped3A : memref<!tpu.dma_semaphore, #tpu.memory_space<semaphore_mem>>) {add = true}
          %dma_wait3A_59 = arith.constant 0 : i32
          %dma_wait3A_60 = tpu.memref_slice %arg8[%add3A_33, %dma_wait3A_59] : memref<40x128xi32, #tpu.memory_space<vmem>> -> memref<1x128xi32, #tpu.memory_space<vmem>>
          %dma_wait3A_61 = tpu.memref_squeeze %dma_wait3A_60 : memref<1x128xi32, #tpu.memory_space<vmem>> -> memref<128xi32, #tpu.memory_space<vmem>>
          %dma_wait3A_62 = arith.constant 0 : i32
          %dma_wait3A_63 = arith.constant 0 : i32
          %dma_wait3A_64 = tpu.memref_slice %arg11[%dma_wait3A_62, %dma_wait3A_63] : memref<10240x128xf32, #tpu.memory_space<vmem_shared>> -> memref<10240x128xf32, #tpu.memory_space<vmem_shared>>
          tpu.wait_indirect_dma semaphore(%run_scoped3A : memref<!tpu.dma_semaphore, #tpu.memory_space<semaphore_mem>>) src(%arg10 : memref<128x128xf32, #tpu.memory_space<vmem>>) dst(%dma_wait3A_64 : memref<10240x128xf32, #tpu.memory_space<vmem_shared>>)
          tpu.yield
        }) : () -> ()
      }
      %scan3A_29 = arith.constant 20 : i32
    }
    %scan3A_7 = arith.constant 2 : i32
    %barrier3A_8 = arith.constant 0 : index
    tpu.barrier barrier_id(%barrier3A_8)
    %mul3A_9 = arith.constant 640 : i32
    %mul3A_10 = arith.muli %arg1, %mul3A_9 : i32
    %mul3A_11 = arith.constant 640 : i32
    %mul3A_12 = arith.muli %arg1, %mul3A_11 : i32
    "tpu.region"() ({
      %run_scoped3A = tpu.sem_alloc : memref<!tpu.dma_semaphore, #tpu.memory_space<semaphore_mem>>
      %dma_start3A = arith.constant 0 : i32
      %dma_start3A_13 = tpu.memref_slice %arg6[%arg0, %mul3A_12, %dma_start3A] : memref<2x10240x128xf32, #tpu.memory_space<hbm>> -> memref<1x640x128xf32, #tpu.memory_space<hbm>>
      %dma_start3A_14 = tpu.memref_squeeze %dma_start3A_13 : memref<1x640x128xf32, #tpu.memory_space<hbm>> -> memref<640x128xf32, #tpu.memory_space<hbm>>
      %dma_start3A_15 = arith.constant 0 : i32
      %dma_start3A_16 = tpu.memref_slice %arg11[%mul3A_10, %dma_start3A_15] : memref<10240x128xf32, #tpu.memory_space<vmem_shared>> -> memref<640x128xf32, #tpu.memory_space<vmem_shared>>
      tpu.enqueue_dma source(%dma_start3A_16 : memref<640x128xf32, #tpu.memory_space<vmem_shared>>) target(%dma_start3A_14 : memref<640x128xf32, #tpu.memory_space<hbm>>) target_semaphore(%run_scoped3A : memref<!tpu.dma_semaphore, #tpu.memory_space<semaphore_mem>>)
      %dma_wait3A = arith.constant 0 : i32
      %dma_wait3A_17 = tpu.memref_slice %arg6[%arg0, %mul3A_12, %dma_wait3A] : memref<2x10240x128xf32, #tpu.memory_space<hbm>> -> memref<1x640x128xf32, #tpu.memory_space<hbm>>
      %dma_wait3A_18 = tpu.memref_squeeze %dma_wait3A_17 : memref<1x640x128xf32, #tpu.memory_space<hbm>> -> memref<640x128xf32, #tpu.memory_space<hbm>>
      %dma_wait3A_19 = arith.constant 0 : i32
      %dma_wait3A_20 = tpu.memref_slice %arg11[%mul3A_10, %dma_wait3A_19] : memref<10240x128xf32, #tpu.memory_space<vmem_shared>> -> memref<640x128xf32, #tpu.memory_space<vmem_shared>>
      tpu.wait_dma2 semaphore(%run_scoped3A : memref<!tpu.dma_semaphore, #tpu.memory_space<semaphore_mem>>) src(%dma_wait3A_20 : memref<640x128xf32, #tpu.memory_space<vmem_shared>>) dst(%dma_wait3A_18 : memref<640x128xf32, #tpu.memory_space<hbm>>)
      tpu.yield
    }) : () -> ()
    return
  }
}

#map = affine_map<(d0, d1) -> (0, 0)>
#map1 = affine_map<(d0, d1) -> (0, 0, 0, 0)>
#map2 = affine_map<(d0, d1) -> (0, 0, 0)>
module attributes {stable_mosaic.version = 14 : i64} {
  func.func @_deg_sc_body(%arg0: i32, %arg1: i32, %arg2: memref<128x128xf32, #tpu.memory_space<hbm>>, %arg3: memref<2x16x80x128xi32, #tpu.memory_space<hbm>>, %arg4: memref<10240x128xf32, #tpu.memory_space<hbm>>, %arg5: memref<2x10240x128xf32, #tpu.memory_space<hbm>>, %arg6: memref<40x128xi32, #tpu.memory_space<vmem>>, %arg7: memref<128x128xf32, #tpu.memory_space<vmem>>, %arg8: memref<10240x128xf32, #tpu.memory_space<vmem_shared>>) attributes {dimension_semantics = [#tpu.dimension_semantics<core_parallel>, #tpu.dimension_semantics<subcore_parallel>], iteration_bounds = array<i64: 2, 16>, scalar_prefetch = 0 : i64, scratch_operands = 3 : i64, tpu.core_type = #tpu.core_type<sc_vector_subcore>, window_params = [{transform_indices = #map}, {transform_indices = #map1}, {transform_indices = #map}, {transform_indices = #map2}]} {
    "tpu.region"() ({
      %run_scoped3A = tpu.sem_alloc : memref<!tpu.dma_semaphore, #tpu.memory_space<semaphore_mem>>
      tpu.enqueue_dma source(%arg2 : memref<128x128xf32, #tpu.memory_space<hbm>>) target(%arg7 : memref<128x128xf32, #tpu.memory_space<vmem>>) target_semaphore(%run_scoped3A : memref<!tpu.dma_semaphore, #tpu.memory_space<semaphore_mem>>)
      tpu.wait_dma2 semaphore(%run_scoped3A : memref<!tpu.dma_semaphore, #tpu.memory_space<semaphore_mem>>) src(%arg2 : memref<128x128xf32, #tpu.memory_space<hbm>>) dst(%arg7 : memref<128x128xf32, #tpu.memory_space<vmem>>)
      tpu.yield
    }) : () -> ()
    %mul3A = arith.constant 640 : i32
    %mul3A_0 = arith.muli %arg1, %mul3A : i32
    %mul3A_1 = arith.constant 640 : i32
    %mul3A_2 = arith.muli %arg1, %mul3A_1 : i32
    "tpu.region"() ({
      %run_scoped3A = tpu.sem_alloc : memref<!tpu.dma_semaphore, #tpu.memory_space<semaphore_mem>>
      %dma_start3A = arith.constant 0 : i32
      %dma_start3A_13 = tpu.memref_slice %arg8[%mul3A_2, %dma_start3A] : memref<10240x128xf32, #tpu.memory_space<vmem_shared>> -> memref<640x128xf32, #tpu.memory_space<vmem_shared>>
      %dma_start3A_14 = arith.constant 0 : i32
      %dma_start3A_15 = tpu.memref_slice %arg4[%mul3A_0, %dma_start3A_14] : memref<10240x128xf32, #tpu.memory_space<hbm>> -> memref<640x128xf32, #tpu.memory_space<hbm>>
      tpu.enqueue_dma source(%dma_start3A_15 : memref<640x128xf32, #tpu.memory_space<hbm>>) target(%dma_start3A_13 : memref<640x128xf32, #tpu.memory_space<vmem_shared>>) target_semaphore(%run_scoped3A : memref<!tpu.dma_semaphore, #tpu.memory_space<semaphore_mem>>)
      %dma_wait3A = arith.constant 0 : i32
      %dma_wait3A_16 = tpu.memref_slice %arg8[%mul3A_2, %dma_wait3A] : memref<10240x128xf32, #tpu.memory_space<vmem_shared>> -> memref<640x128xf32, #tpu.memory_space<vmem_shared>>
      %dma_wait3A_17 = arith.constant 0 : i32
      %dma_wait3A_18 = tpu.memref_slice %arg4[%mul3A_0, %dma_wait3A_17] : memref<10240x128xf32, #tpu.memory_space<hbm>> -> memref<640x128xf32, #tpu.memory_space<hbm>>
      tpu.wait_dma2 semaphore(%run_scoped3A : memref<!tpu.dma_semaphore, #tpu.memory_space<semaphore_mem>>) src(%dma_wait3A_18 : memref<640x128xf32, #tpu.memory_space<hbm>>) dst(%dma_wait3A_16 : memref<640x128xf32, #tpu.memory_space<vmem_shared>>)
      tpu.yield
    }) : () -> ()
    %barrier3A = arith.constant 0 : index
    tpu.barrier barrier_id(%barrier3A)
    %scan3A = arith.constant 0 : i32
    %scan3A_3 = arith.constant 0 : i32
    %scan3A_4 = arith.constant 2 : i32
    %scan3A_5 = arith.addi %scan3A_3, %scan3A_4 : i32
    %scan3A_6 = arith.constant 1 : i32
    scf.for %scan3A_13 = %scan3A_3 to %scan3A_5 step %scan3A_6  : i32 {
      %mul3A_14 = arith.constant 40 : i32
      %mul3A_15 = arith.muli %scan3A_13, %mul3A_14 : i32
      "tpu.region"() ({
        %run_scoped3A = tpu.sem_alloc : memref<!tpu.dma_semaphore, #tpu.memory_space<semaphore_mem>>
        %dma_start3A = arith.constant 0 : i32
        %dma_start3A_22 = tpu.memref_slice %arg3[%arg0, %arg1, %mul3A_15, %dma_start3A] : memref<2x16x80x128xi32, #tpu.memory_space<hbm>> -> memref<1x1x40x128xi32, #tpu.memory_space<hbm>>
        %dma_start3A_23 = tpu.memref_squeeze %dma_start3A_22 : memref<1x1x40x128xi32, #tpu.memory_space<hbm>> -> memref<40x128xi32, #tpu.memory_space<hbm>>
        %dma_start3A_24 = arith.constant 0 : i32
        %dma_start3A_25 = tpu.memref_slice %arg3[%arg0, %arg1, %mul3A_15, %dma_start3A_24] : memref<2x16x80x128xi32, #tpu.memory_space<hbm>> -> memref<1x1x40x128xi32, #tpu.memory_space<hbm>>
        %dma_start3A_26 = tpu.memref_squeeze %dma_start3A_25 : memref<1x1x40x128xi32, #tpu.memory_space<hbm>> -> memref<40x128xi32, #tpu.memory_space<hbm>>
        tpu.enqueue_dma source(%dma_start3A_26 : memref<40x128xi32, #tpu.memory_space<hbm>>) target(%arg6 : memref<40x128xi32, #tpu.memory_space<vmem>>) target_semaphore(%run_scoped3A : memref<!tpu.dma_semaphore, #tpu.memory_space<semaphore_mem>>)
        %dma_wait3A = arith.constant 0 : i32
        %dma_wait3A_27 = tpu.memref_slice %arg3[%arg0, %arg1, %mul3A_15, %dma_wait3A] : memref<2x16x80x128xi32, #tpu.memory_space<hbm>> -> memref<1x1x40x128xi32, #tpu.memory_space<hbm>>
        %dma_wait3A_28 = tpu.memref_squeeze %dma_wait3A_27 : memref<1x1x40x128xi32, #tpu.memory_space<hbm>> -> memref<40x128xi32, #tpu.memory_space<hbm>>
        %dma_wait3A_29 = arith.constant 0 : i32
        %dma_wait3A_30 = tpu.memref_slice %arg3[%arg0, %arg1, %mul3A_15, %dma_wait3A_29] : memref<2x16x80x128xi32, #tpu.memory_space<hbm>> -> memref<1x1x40x128xi32, #tpu.memory_space<hbm>>
        %dma_wait3A_31 = tpu.memref_squeeze %dma_wait3A_30 : memref<1x1x40x128xi32, #tpu.memory_space<hbm>> -> memref<40x128xi32, #tpu.memory_space<hbm>>
        tpu.wait_dma2 semaphore(%run_scoped3A : memref<!tpu.dma_semaphore, #tpu.memory_space<semaphore_mem>>) src(%dma_wait3A_31 : memref<40x128xi32, #tpu.memory_space<hbm>>) dst(%arg6 : memref<40x128xi32, #tpu.memory_space<vmem>>)
        tpu.yield
      }) : () -> ()
      %scan3A_16 = arith.constant 0 : i32
      %scan3A_17 = arith.constant 0 : i32
      %scan3A_18 = arith.constant 40 : i32
      %scan3A_19 = arith.addi %scan3A_17, %scan3A_18 : i32
      %scan3A_20 = arith.constant 1 : i32
      scf.for %scan3A_22 = %scan3A_17 to %scan3A_19 step %scan3A_20  : i32 {
        "tpu.region"() ({
          %run_scoped3A = tpu.sem_alloc : memref<!tpu.dma_semaphore, #tpu.memory_space<semaphore_mem>>
          %dma_start3A = arith.constant 0 : i32
          %dma_start3A_23 = tpu.memref_slice %arg6[%scan3A_22, %dma_start3A] : memref<40x128xi32, #tpu.memory_space<vmem>> -> memref<1x128xi32, #tpu.memory_space<vmem>>
          %dma_start3A_24 = tpu.memref_squeeze %dma_start3A_23 : memref<1x128xi32, #tpu.memory_space<vmem>> -> memref<128xi32, #tpu.memory_space<vmem>>
          %dma_start3A_25 = arith.constant 0 : i32
          %dma_start3A_26 = arith.constant 0 : i32
          %dma_start3A_27 = tpu.memref_slice %arg8[%dma_start3A_25, %dma_start3A_26] : memref<10240x128xf32, #tpu.memory_space<vmem_shared>> -> memref<10240x128xf32, #tpu.memory_space<vmem_shared>>
          tpu.enqueue_indirect_dma source(%arg7 : memref<128x128xf32, #tpu.memory_space<vmem>>) target(%dma_start3A_27 : memref<10240x128xf32, #tpu.memory_space<vmem_shared>>) offsets(%dma_start3A_24 : memref<128xi32, #tpu.memory_space<vmem>>) semaphore(%run_scoped3A : memref<!tpu.dma_semaphore, #tpu.memory_space<semaphore_mem>>) {add = true}
          %dma_wait3A = arith.constant 0 : i32
          %dma_wait3A_28 = tpu.memref_slice %arg6[%scan3A_22, %dma_wait3A] : memref<40x128xi32, #tpu.memory_space<vmem>> -> memref<1x128xi32, #tpu.memory_space<vmem>>
          %dma_wait3A_29 = tpu.memref_squeeze %dma_wait3A_28 : memref<1x128xi32, #tpu.memory_space<vmem>> -> memref<128xi32, #tpu.memory_space<vmem>>
          %dma_wait3A_30 = arith.constant 0 : i32
          %dma_wait3A_31 = arith.constant 0 : i32
          %dma_wait3A_32 = tpu.memref_slice %arg8[%dma_wait3A_30, %dma_wait3A_31] : memref<10240x128xf32, #tpu.memory_space<vmem_shared>> -> memref<10240x128xf32, #tpu.memory_space<vmem_shared>>
          tpu.wait_indirect_dma semaphore(%run_scoped3A : memref<!tpu.dma_semaphore, #tpu.memory_space<semaphore_mem>>) src(%arg7 : memref<128x128xf32, #tpu.memory_space<vmem>>) dst(%dma_wait3A_32 : memref<10240x128xf32, #tpu.memory_space<vmem_shared>>)
          tpu.yield
        }) : () -> ()
      }
      %scan3A_21 = arith.constant 40 : i32
    }
    %scan3A_7 = arith.constant 2 : i32
    %barrier3A_8 = arith.constant 0 : index
    tpu.barrier barrier_id(%barrier3A_8)
    %mul3A_9 = arith.constant 640 : i32
    %mul3A_10 = arith.muli %arg1, %mul3A_9 : i32
    %mul3A_11 = arith.constant 640 : i32
    %mul3A_12 = arith.muli %arg1, %mul3A_11 : i32
    "tpu.region"() ({
      %run_scoped3A = tpu.sem_alloc : memref<!tpu.dma_semaphore, #tpu.memory_space<semaphore_mem>>
      %dma_start3A = arith.constant 0 : i32
      %dma_start3A_13 = tpu.memref_slice %arg5[%arg0, %mul3A_12, %dma_start3A] : memref<2x10240x128xf32, #tpu.memory_space<hbm>> -> memref<1x640x128xf32, #tpu.memory_space<hbm>>
      %dma_start3A_14 = tpu.memref_squeeze %dma_start3A_13 : memref<1x640x128xf32, #tpu.memory_space<hbm>> -> memref<640x128xf32, #tpu.memory_space<hbm>>
      %dma_start3A_15 = arith.constant 0 : i32
      %dma_start3A_16 = tpu.memref_slice %arg8[%mul3A_10, %dma_start3A_15] : memref<10240x128xf32, #tpu.memory_space<vmem_shared>> -> memref<640x128xf32, #tpu.memory_space<vmem_shared>>
      tpu.enqueue_dma source(%dma_start3A_16 : memref<640x128xf32, #tpu.memory_space<vmem_shared>>) target(%dma_start3A_14 : memref<640x128xf32, #tpu.memory_space<hbm>>) target_semaphore(%run_scoped3A : memref<!tpu.dma_semaphore, #tpu.memory_space<semaphore_mem>>)
      %dma_wait3A = arith.constant 0 : i32
      %dma_wait3A_17 = tpu.memref_slice %arg5[%arg0, %mul3A_12, %dma_wait3A] : memref<2x10240x128xf32, #tpu.memory_space<hbm>> -> memref<1x640x128xf32, #tpu.memory_space<hbm>>
      %dma_wait3A_18 = tpu.memref_squeeze %dma_wait3A_17 : memref<1x640x128xf32, #tpu.memory_space<hbm>> -> memref<640x128xf32, #tpu.memory_space<hbm>>
      %dma_wait3A_19 = arith.constant 0 : i32
      %dma_wait3A_20 = tpu.memref_slice %arg8[%mul3A_10, %dma_wait3A_19] : memref<10240x128xf32, #tpu.memory_space<vmem_shared>> -> memref<640x128xf32, #tpu.memory_space<vmem_shared>>
      tpu.wait_dma2 semaphore(%run_scoped3A : memref<!tpu.dma_semaphore, #tpu.memory_space<semaphore_mem>>) src(%dma_wait3A_20 : memref<640x128xf32, #tpu.memory_space<vmem_shared>>) dst(%dma_wait3A_18 : memref<640x128xf32, #tpu.memory_space<hbm>>)
      tpu.yield
    }) : () -> ()
    return
  }
}

#map = affine_map<(d0, d1) -> (0, 0)>
#map1 = affine_map<(d0, d1) -> (0, 0, 0, 0)>
#map2 = affine_map<(d0, d1) -> (0, 0, 0)>
module attributes {stable_mosaic.version = 14 : i64} {
  func.func @_agg_sc_body(%arg0: i32, %arg1: i32, %arg2: memref<10240x128xf32, #tpu.memory_space<hbm>>, %arg3: memref<2x16x80x128xi32, #tpu.memory_space<hbm>>, %arg4: memref<2x16x80x128xi32, #tpu.memory_space<hbm>>, %arg5: memref<10240x128xf32, #tpu.memory_space<hbm>>, %arg6: memref<2x10240x128xf32, #tpu.memory_space<hbm>>, %arg7: memref<40x128xi32, #tpu.memory_space<vmem>>, %arg8: memref<40x128xi32, #tpu.memory_space<vmem>>, %arg9: memref<128x128xf32, #tpu.memory_space<vmem>>, %arg10: memref<128x128xf32, #tpu.memory_space<vmem>>, %arg11: memref<10240x128xf32, #tpu.memory_space<vmem_shared>>, %arg12: memref<!tpu.dma_semaphore, #tpu.memory_space<semaphore_mem>>, %arg13: memref<!tpu.dma_semaphore, #tpu.memory_space<semaphore_mem>>, %arg14: memref<!tpu.dma_semaphore, #tpu.memory_space<semaphore_mem>>, %arg15: memref<!tpu.dma_semaphore, #tpu.memory_space<semaphore_mem>>) attributes {dimension_semantics = [#tpu.dimension_semantics<core_parallel>, #tpu.dimension_semantics<subcore_parallel>], iteration_bounds = array<i64: 2, 16>, scalar_prefetch = 0 : i64, scratch_operands = 9 : i64, tpu.core_type = #tpu.core_type<sc_vector_subcore>, window_params = [{transform_indices = #map}, {transform_indices = #map1}, {transform_indices = #map1}, {transform_indices = #map}, {transform_indices = #map2}]} {
    %mul3A = arith.constant 640 : i32
    %mul3A_0 = arith.muli %arg1, %mul3A : i32
    %mul3A_1 = arith.constant 640 : i32
    %mul3A_2 = arith.muli %arg1, %mul3A_1 : i32
    "tpu.region"() ({
      %run_scoped3A = tpu.sem_alloc : memref<!tpu.dma_semaphore, #tpu.memory_space<semaphore_mem>>
      %dma_start3A = arith.constant 0 : i32
      %dma_start3A_13 = tpu.memref_slice %arg11[%mul3A_2, %dma_start3A] : memref<10240x128xf32, #tpu.memory_space<vmem_shared>> -> memref<640x128xf32, #tpu.memory_space<vmem_shared>>
      %dma_start3A_14 = arith.constant 0 : i32
      %dma_start3A_15 = tpu.memref_slice %arg5[%mul3A_0, %dma_start3A_14] : memref<10240x128xf32, #tpu.memory_space<hbm>> -> memref<640x128xf32, #tpu.memory_space<hbm>>
      tpu.enqueue_dma source(%dma_start3A_15 : memref<640x128xf32, #tpu.memory_space<hbm>>) target(%dma_start3A_13 : memref<640x128xf32, #tpu.memory_space<vmem_shared>>) target_semaphore(%run_scoped3A : memref<!tpu.dma_semaphore, #tpu.memory_space<semaphore_mem>>)
      %dma_wait3A = arith.constant 0 : i32
      %dma_wait3A_16 = tpu.memref_slice %arg11[%mul3A_2, %dma_wait3A] : memref<10240x128xf32, #tpu.memory_space<vmem_shared>> -> memref<640x128xf32, #tpu.memory_space<vmem_shared>>
      %dma_wait3A_17 = arith.constant 0 : i32
      %dma_wait3A_18 = tpu.memref_slice %arg5[%mul3A_0, %dma_wait3A_17] : memref<10240x128xf32, #tpu.memory_space<hbm>> -> memref<640x128xf32, #tpu.memory_space<hbm>>
      tpu.wait_dma2 semaphore(%run_scoped3A : memref<!tpu.dma_semaphore, #tpu.memory_space<semaphore_mem>>) src(%dma_wait3A_18 : memref<640x128xf32, #tpu.memory_space<hbm>>) dst(%dma_wait3A_16 : memref<640x128xf32, #tpu.memory_space<vmem_shared>>)
      tpu.yield
    }) : () -> ()
    %barrier3A = arith.constant 0 : index
    tpu.barrier barrier_id(%barrier3A)
    %scan3A = arith.constant 0 : i32
    %scan3A_3 = arith.constant 0 : i32
    %scan3A_4 = arith.constant 2 : i32
    %scan3A_5 = arith.addi %scan3A_3, %scan3A_4 : i32
    %scan3A_6 = arith.constant 1 : i32
    scf.for %scan3A_13 = %scan3A_3 to %scan3A_5 step %scan3A_6  : i32 {
      %mul3A_14 = arith.constant 40 : i32
      %mul3A_15 = arith.muli %scan3A_13, %mul3A_14 : i32
      "tpu.region"() ({
        %run_scoped3A = tpu.sem_alloc : memref<!tpu.dma_semaphore, #tpu.memory_space<semaphore_mem>>
        %dma_start3A_30 = arith.constant 0 : i32
        %dma_start3A_31 = tpu.memref_slice %arg3[%arg0, %arg1, %mul3A_15, %dma_start3A_30] : memref<2x16x80x128xi32, #tpu.memory_space<hbm>> -> memref<1x1x40x128xi32, #tpu.memory_space<hbm>>
        %dma_start3A_32 = tpu.memref_squeeze %dma_start3A_31 : memref<1x1x40x128xi32, #tpu.memory_space<hbm>> -> memref<40x128xi32, #tpu.memory_space<hbm>>
        %dma_start3A_33 = arith.constant 0 : i32
        %dma_start3A_34 = tpu.memref_slice %arg3[%arg0, %arg1, %mul3A_15, %dma_start3A_33] : memref<2x16x80x128xi32, #tpu.memory_space<hbm>> -> memref<1x1x40x128xi32, #tpu.memory_space<hbm>>
        %dma_start3A_35 = tpu.memref_squeeze %dma_start3A_34 : memref<1x1x40x128xi32, #tpu.memory_space<hbm>> -> memref<40x128xi32, #tpu.memory_space<hbm>>
        tpu.enqueue_dma source(%dma_start3A_35 : memref<40x128xi32, #tpu.memory_space<hbm>>) target(%arg7 : memref<40x128xi32, #tpu.memory_space<vmem>>) target_semaphore(%run_scoped3A : memref<!tpu.dma_semaphore, #tpu.memory_space<semaphore_mem>>)
        %dma_wait3A = arith.constant 0 : i32
        %dma_wait3A_36 = tpu.memref_slice %arg3[%arg0, %arg1, %mul3A_15, %dma_wait3A] : memref<2x16x80x128xi32, #tpu.memory_space<hbm>> -> memref<1x1x40x128xi32, #tpu.memory_space<hbm>>
        %dma_wait3A_37 = tpu.memref_squeeze %dma_wait3A_36 : memref<1x1x40x128xi32, #tpu.memory_space<hbm>> -> memref<40x128xi32, #tpu.memory_space<hbm>>
        %dma_wait3A_38 = arith.constant 0 : i32
        %dma_wait3A_39 = tpu.memref_slice %arg3[%arg0, %arg1, %mul3A_15, %dma_wait3A_38] : memref<2x16x80x128xi32, #tpu.memory_space<hbm>> -> memref<1x1x40x128xi32, #tpu.memory_space<hbm>>
        %dma_wait3A_40 = tpu.memref_squeeze %dma_wait3A_39 : memref<1x1x40x128xi32, #tpu.memory_space<hbm>> -> memref<40x128xi32, #tpu.memory_space<hbm>>
        tpu.wait_dma2 semaphore(%run_scoped3A : memref<!tpu.dma_semaphore, #tpu.memory_space<semaphore_mem>>) src(%dma_wait3A_40 : memref<40x128xi32, #tpu.memory_space<hbm>>) dst(%arg7 : memref<40x128xi32, #tpu.memory_space<vmem>>)
        tpu.yield
      }) : () -> ()
      %mul3A_16 = arith.constant 40 : i32
      %mul3A_17 = arith.muli %scan3A_13, %mul3A_16 : i32
      "tpu.region"() ({
        %run_scoped3A = tpu.sem_alloc : memref<!tpu.dma_semaphore, #tpu.memory_space<semaphore_mem>>
        %dma_start3A_30 = arith.constant 0 : i32
        %dma_start3A_31 = tpu.memref_slice %arg4[%arg0, %arg1, %mul3A_17, %dma_start3A_30] : memref<2x16x80x128xi32, #tpu.memory_space<hbm>> -> memref<1x1x40x128xi32, #tpu.memory_space<hbm>>
        %dma_start3A_32 = tpu.memref_squeeze %dma_start3A_31 : memref<1x1x40x128xi32, #tpu.memory_space<hbm>> -> memref<40x128xi32, #tpu.memory_space<hbm>>
        %dma_start3A_33 = arith.constant 0 : i32
        %dma_start3A_34 = tpu.memref_slice %arg4[%arg0, %arg1, %mul3A_17, %dma_start3A_33] : memref<2x16x80x128xi32, #tpu.memory_space<hbm>> -> memref<1x1x40x128xi32, #tpu.memory_space<hbm>>
        %dma_start3A_35 = tpu.memref_squeeze %dma_start3A_34 : memref<1x1x40x128xi32, #tpu.memory_space<hbm>> -> memref<40x128xi32, #tpu.memory_space<hbm>>
        tpu.enqueue_dma source(%dma_start3A_35 : memref<40x128xi32, #tpu.memory_space<hbm>>) target(%arg8 : memref<40x128xi32, #tpu.memory_space<vmem>>) target_semaphore(%run_scoped3A : memref<!tpu.dma_semaphore, #tpu.memory_space<semaphore_mem>>)
        %dma_wait3A = arith.constant 0 : i32
        %dma_wait3A_36 = tpu.memref_slice %arg4[%arg0, %arg1, %mul3A_17, %dma_wait3A] : memref<2x16x80x128xi32, #tpu.memory_space<hbm>> -> memref<1x1x40x128xi32, #tpu.memory_space<hbm>>
        %dma_wait3A_37 = tpu.memref_squeeze %dma_wait3A_36 : memref<1x1x40x128xi32, #tpu.memory_space<hbm>> -> memref<40x128xi32, #tpu.memory_space<hbm>>
        %dma_wait3A_38 = arith.constant 0 : i32
        %dma_wait3A_39 = tpu.memref_slice %arg4[%arg0, %arg1, %mul3A_17, %dma_wait3A_38] : memref<2x16x80x128xi32, #tpu.memory_space<hbm>> -> memref<1x1x40x128xi32, #tpu.memory_space<hbm>>
        %dma_wait3A_40 = tpu.memref_squeeze %dma_wait3A_39 : memref<1x1x40x128xi32, #tpu.memory_space<hbm>> -> memref<40x128xi32, #tpu.memory_space<hbm>>
        tpu.wait_dma2 semaphore(%run_scoped3A : memref<!tpu.dma_semaphore, #tpu.memory_space<semaphore_mem>>) src(%dma_wait3A_40 : memref<40x128xi32, #tpu.memory_space<hbm>>) dst(%arg8 : memref<40x128xi32, #tpu.memory_space<vmem>>)
        tpu.yield
      }) : () -> ()
      %dma_start3A = arith.constant 0 : i32
      %dma_start3A_18 = arith.constant 0 : i32
      %dma_start3A_19 = tpu.memref_slice %arg7[%dma_start3A, %dma_start3A_18] : memref<40x128xi32, #tpu.memory_space<vmem>> -> memref<1x128xi32, #tpu.memory_space<vmem>>
      %dma_start3A_20 = tpu.memref_squeeze %dma_start3A_19 : memref<1x128xi32, #tpu.memory_space<vmem>> -> memref<128xi32, #tpu.memory_space<vmem>>
      %dma_start3A_21 = arith.constant 0 : i32
      %dma_start3A_22 = arith.constant 0 : i32
      %dma_start3A_23 = tpu.memref_slice %arg2[%dma_start3A_21, %dma_start3A_22] : memref<10240x128xf32, #tpu.memory_space<hbm>> -> memref<10240x128xf32, #tpu.memory_space<hbm>>
      tpu.enqueue_indirect_dma source(%dma_start3A_23 : memref<10240x128xf32, #tpu.memory_space<hbm>>) target(%arg9 : memref<128x128xf32, #tpu.memory_space<vmem>>) offsets(%dma_start3A_20 : memref<128xi32, #tpu.memory_space<vmem>>) semaphore(%arg12 : memref<!tpu.dma_semaphore, #tpu.memory_space<semaphore_mem>>)
      %scan3A_24 = arith.constant 0 : i32
      %scan3A_25 = arith.constant 0 : i32
      %scan3A_26 = arith.constant 20 : i32
      %scan3A_27 = arith.addi %scan3A_25, %scan3A_26 : i32
      %scan3A_28 = arith.constant 1 : i32
      scf.for %scan3A_30 = %scan3A_25 to %scan3A_27 step %scan3A_28  : i32 {
        %mul3A_31 = arith.constant 2 : i32
        %mul3A_32 = arith.muli %mul3A_31, %scan3A_30 : i32
        %add3A = arith.constant 1 : i32
        %add3A_33 = arith.addi %mul3A_32, %add3A : i32
        %dma_wait3A = arith.constant 0 : i32
        %dma_wait3A_34 = tpu.memref_slice %arg7[%mul3A_32, %dma_wait3A] : memref<40x128xi32, #tpu.memory_space<vmem>> -> memref<1x128xi32, #tpu.memory_space<vmem>>
        %dma_wait3A_35 = tpu.memref_squeeze %dma_wait3A_34 : memref<1x128xi32, #tpu.memory_space<vmem>> -> memref<128xi32, #tpu.memory_space<vmem>>
        %dma_wait3A_36 = arith.constant 0 : i32
        %dma_wait3A_37 = arith.constant 0 : i32
        %dma_wait3A_38 = tpu.memref_slice %arg2[%dma_wait3A_36, %dma_wait3A_37] : memref<10240x128xf32, #tpu.memory_space<hbm>> -> memref<10240x128xf32, #tpu.memory_space<hbm>>
        tpu.wait_indirect_dma semaphore(%arg12 : memref<!tpu.dma_semaphore, #tpu.memory_space<semaphore_mem>>) src(%dma_wait3A_38 : memref<10240x128xf32, #tpu.memory_space<hbm>>) dst(%arg9 : memref<128x128xf32, #tpu.memory_space<vmem>>)
        %dma_start3A_39 = arith.constant 0 : i32
        %dma_start3A_40 = tpu.memref_slice %arg7[%add3A_33, %dma_start3A_39] : memref<40x128xi32, #tpu.memory_space<vmem>> -> memref<1x128xi32, #tpu.memory_space<vmem>>
        %dma_start3A_41 = tpu.memref_squeeze %dma_start3A_40 : memref<1x128xi32, #tpu.memory_space<vmem>> -> memref<128xi32, #tpu.memory_space<vmem>>
        %dma_start3A_42 = arith.constant 0 : i32
        %dma_start3A_43 = arith.constant 0 : i32
        %dma_start3A_44 = tpu.memref_slice %arg2[%dma_start3A_42, %dma_start3A_43] : memref<10240x128xf32, #tpu.memory_space<hbm>> -> memref<10240x128xf32, #tpu.memory_space<hbm>>
        tpu.enqueue_indirect_dma source(%dma_start3A_44 : memref<10240x128xf32, #tpu.memory_space<hbm>>) target(%arg10 : memref<128x128xf32, #tpu.memory_space<vmem>>) offsets(%dma_start3A_41 : memref<128xi32, #tpu.memory_space<vmem>>) semaphore(%arg13 : memref<!tpu.dma_semaphore, #tpu.memory_space<semaphore_mem>>)
        "tpu.region"() ({
          %run_scoped3A = tpu.sem_alloc : memref<!tpu.dma_semaphore, #tpu.memory_space<semaphore_mem>>
          %dma_start3A_53 = arith.constant 0 : i32
          %dma_start3A_54 = tpu.memref_slice %arg8[%mul3A_32, %dma_start3A_53] : memref<40x128xi32, #tpu.memory_space<vmem>> -> memref<1x128xi32, #tpu.memory_space<vmem>>
          %dma_start3A_55 = tpu.memref_squeeze %dma_start3A_54 : memref<1x128xi32, #tpu.memory_space<vmem>> -> memref<128xi32, #tpu.memory_space<vmem>>
          %dma_start3A_56 = arith.constant 0 : i32
          %dma_start3A_57 = arith.constant 0 : i32
          %dma_start3A_58 = tpu.memref_slice %arg11[%dma_start3A_56, %dma_start3A_57] : memref<10240x128xf32, #tpu.memory_space<vmem_shared>> -> memref<10240x128xf32, #tpu.memory_space<vmem_shared>>
          tpu.enqueue_indirect_dma source(%arg9 : memref<128x128xf32, #tpu.memory_space<vmem>>) target(%dma_start3A_58 : memref<10240x128xf32, #tpu.memory_space<vmem_shared>>) offsets(%dma_start3A_55 : memref<128xi32, #tpu.memory_space<vmem>>) semaphore(%run_scoped3A : memref<!tpu.dma_semaphore, #tpu.memory_space<semaphore_mem>>) {add = true}
          %dma_wait3A_59 = arith.constant 0 : i32
          %dma_wait3A_60 = tpu.memref_slice %arg8[%mul3A_32, %dma_wait3A_59] : memref<40x128xi32, #tpu.memory_space<vmem>> -> memref<1x128xi32, #tpu.memory_space<vmem>>
          %dma_wait3A_61 = tpu.memref_squeeze %dma_wait3A_60 : memref<1x128xi32, #tpu.memory_space<vmem>> -> memref<128xi32, #tpu.memory_space<vmem>>
          %dma_wait3A_62 = arith.constant 0 : i32
          %dma_wait3A_63 = arith.constant 0 : i32
          %dma_wait3A_64 = tpu.memref_slice %arg11[%dma_wait3A_62, %dma_wait3A_63] : memref<10240x128xf32, #tpu.memory_space<vmem_shared>> -> memref<10240x128xf32, #tpu.memory_space<vmem_shared>>
          tpu.wait_indirect_dma semaphore(%run_scoped3A : memref<!tpu.dma_semaphore, #tpu.memory_space<semaphore_mem>>) src(%arg9 : memref<128x128xf32, #tpu.memory_space<vmem>>) dst(%dma_wait3A_64 : memref<10240x128xf32, #tpu.memory_space<vmem_shared>>)
          tpu.yield
        }) : () -> ()
        %dma_wait3A_45 = arith.constant 0 : i32
        %dma_wait3A_46 = tpu.memref_slice %arg7[%add3A_33, %dma_wait3A_45] : memref<40x128xi32, #tpu.memory_space<vmem>> -> memref<1x128xi32, #tpu.memory_space<vmem>>
        %dma_wait3A_47 = tpu.memref_squeeze %dma_wait3A_46 : memref<1x128xi32, #tpu.memory_space<vmem>> -> memref<128xi32, #tpu.memory_space<vmem>>
        %dma_wait3A_48 = arith.constant 0 : i32
        %dma_wait3A_49 = arith.constant 0 : i32
        %dma_wait3A_50 = tpu.memref_slice %arg2[%dma_wait3A_48, %dma_wait3A_49] : memref<10240x128xf32, #tpu.memory_space<hbm>> -> memref<10240x128xf32, #tpu.memory_space<hbm>>
        tpu.wait_indirect_dma semaphore(%arg13 : memref<!tpu.dma_semaphore, #tpu.memory_space<semaphore_mem>>) src(%dma_wait3A_50 : memref<10240x128xf32, #tpu.memory_space<hbm>>) dst(%arg10 : memref<128x128xf32, #tpu.memory_space<vmem>>)
        %lt3A = arith.constant 19 : i32
        %lt3A_51 = arith.cmpi slt, %scan3A_30, %lt3A : i32
        %convert_element_type3A = arith.extui %lt3A_51 : i1 to i32
        %cond3A = arith.constant 0 : i32
        %cond3A_52 = arith.cmpi ne, %convert_element_type3A, %cond3A : i32
        scf.if %cond3A_52 {
          %add3A_53 = arith.constant 2 : i32
          %add3A_54 = arith.addi %mul3A_32, %add3A_53 : i32
          %dma_start3A_55 = arith.constant 0 : i32
          %dma_start3A_56 = tpu.memref_slice %arg7[%add3A_54, %dma_start3A_55] : memref<40x128xi32, #tpu.memory_space<vmem>> -> memref<1x128xi32, #tpu.memory_space<vmem>>
          %dma_start3A_57 = tpu.memref_squeeze %dma_start3A_56 : memref<1x128xi32, #tpu.memory_space<vmem>> -> memref<128xi32, #tpu.memory_space<vmem>>
          %dma_start3A_58 = arith.constant 0 : i32
          %dma_start3A_59 = arith.constant 0 : i32
          %dma_start3A_60 = tpu.memref_slice %arg2[%dma_start3A_58, %dma_start3A_59] : memref<10240x128xf32, #tpu.memory_space<hbm>> -> memref<10240x128xf32, #tpu.memory_space<hbm>>
          tpu.enqueue_indirect_dma source(%dma_start3A_60 : memref<10240x128xf32, #tpu.memory_space<hbm>>) target(%arg9 : memref<128x128xf32, #tpu.memory_space<vmem>>) offsets(%dma_start3A_57 : memref<128xi32, #tpu.memory_space<vmem>>) semaphore(%arg12 : memref<!tpu.dma_semaphore, #tpu.memory_space<semaphore_mem>>)
        } else {
        }
        "tpu.region"() ({
          %run_scoped3A = tpu.sem_alloc : memref<!tpu.dma_semaphore, #tpu.memory_space<semaphore_mem>>
          %dma_start3A_53 = arith.constant 0 : i32
          %dma_start3A_54 = tpu.memref_slice %arg8[%add3A_33, %dma_start3A_53] : memref<40x128xi32, #tpu.memory_space<vmem>> -> memref<1x128xi32, #tpu.memory_space<vmem>>
          %dma_start3A_55 = tpu.memref_squeeze %dma_start3A_54 : memref<1x128xi32, #tpu.memory_space<vmem>> -> memref<128xi32, #tpu.memory_space<vmem>>
          %dma_start3A_56 = arith.constant 0 : i32
          %dma_start3A_57 = arith.constant 0 : i32
          %dma_start3A_58 = tpu.memref_slice %arg11[%dma_start3A_56, %dma_start3A_57] : memref<10240x128xf32, #tpu.memory_space<vmem_shared>> -> memref<10240x128xf32, #tpu.memory_space<vmem_shared>>
          tpu.enqueue_indirect_dma source(%arg10 : memref<128x128xf32, #tpu.memory_space<vmem>>) target(%dma_start3A_58 : memref<10240x128xf32, #tpu.memory_space<vmem_shared>>) offsets(%dma_start3A_55 : memref<128xi32, #tpu.memory_space<vmem>>) semaphore(%run_scoped3A : memref<!tpu.dma_semaphore, #tpu.memory_space<semaphore_mem>>) {add = true}
          %dma_wait3A_59 = arith.constant 0 : i32
          %dma_wait3A_60 = tpu.memref_slice %arg8[%add3A_33, %dma_wait3A_59] : memref<40x128xi32, #tpu.memory_space<vmem>> -> memref<1x128xi32, #tpu.memory_space<vmem>>
          %dma_wait3A_61 = tpu.memref_squeeze %dma_wait3A_60 : memref<1x128xi32, #tpu.memory_space<vmem>> -> memref<128xi32, #tpu.memory_space<vmem>>
          %dma_wait3A_62 = arith.constant 0 : i32
          %dma_wait3A_63 = arith.constant 0 : i32
          %dma_wait3A_64 = tpu.memref_slice %arg11[%dma_wait3A_62, %dma_wait3A_63] : memref<10240x128xf32, #tpu.memory_space<vmem_shared>> -> memref<10240x128xf32, #tpu.memory_space<vmem_shared>>
          tpu.wait_indirect_dma semaphore(%run_scoped3A : memref<!tpu.dma_semaphore, #tpu.memory_space<semaphore_mem>>) src(%arg10 : memref<128x128xf32, #tpu.memory_space<vmem>>) dst(%dma_wait3A_64 : memref<10240x128xf32, #tpu.memory_space<vmem_shared>>)
          tpu.yield
        }) : () -> ()
      }
      %scan3A_29 = arith.constant 20 : i32
    }
    %scan3A_7 = arith.constant 2 : i32
    %barrier3A_8 = arith.constant 0 : index
    tpu.barrier barrier_id(%barrier3A_8)
    %mul3A_9 = arith.constant 640 : i32
    %mul3A_10 = arith.muli %arg1, %mul3A_9 : i32
    %mul3A_11 = arith.constant 640 : i32
    %mul3A_12 = arith.muli %arg1, %mul3A_11 : i32
    "tpu.region"() ({
      %run_scoped3A = tpu.sem_alloc : memref<!tpu.dma_semaphore, #tpu.memory_space<semaphore_mem>>
      %dma_start3A = arith.constant 0 : i32
      %dma_start3A_13 = tpu.memref_slice %arg6[%arg0, %mul3A_12, %dma_start3A] : memref<2x10240x128xf32, #tpu.memory_space<hbm>> -> memref<1x640x128xf32, #tpu.memory_space<hbm>>
      %dma_start3A_14 = tpu.memref_squeeze %dma_start3A_13 : memref<1x640x128xf32, #tpu.memory_space<hbm>> -> memref<640x128xf32, #tpu.memory_space<hbm>>
      %dma_start3A_15 = arith.constant 0 : i32
      %dma_start3A_16 = tpu.memref_slice %arg11[%mul3A_10, %dma_start3A_15] : memref<10240x128xf32, #tpu.memory_space<vmem_shared>> -> memref<640x128xf32, #tpu.memory_space<vmem_shared>>
      tpu.enqueue_dma source(%dma_start3A_16 : memref<640x128xf32, #tpu.memory_space<vmem_shared>>) target(%dma_start3A_14 : memref<640x128xf32, #tpu.memory_space<hbm>>) target_semaphore(%run_scoped3A : memref<!tpu.dma_semaphore, #tpu.memory_space<semaphore_mem>>)
      %dma_wait3A = arith.constant 0 : i32
      %dma_wait3A_17 = tpu.memref_slice %arg6[%arg0, %mul3A_12, %dma_wait3A] : memref<2x10240x128xf32, #tpu.memory_space<hbm>> -> memref<1x640x128xf32, #tpu.memory_space<hbm>>
      %dma_wait3A_18 = tpu.memref_squeeze %dma_wait3A_17 : memref<1x640x128xf32, #tpu.memory_space<hbm>> -> memref<640x128xf32, #tpu.memory_space<hbm>>
      %dma_wait3A_19 = arith.constant 0 : i32
      %dma_wait3A_20 = tpu.memref_slice %arg11[%mul3A_10, %dma_wait3A_19] : memref<10240x128xf32, #tpu.memory_space<vmem_shared>> -> memref<640x128xf32, #tpu.memory_space<vmem_shared>>
      tpu.wait_dma2 semaphore(%run_scoped3A : memref<!tpu.dma_semaphore, #tpu.memory_space<semaphore_mem>>) src(%dma_wait3A_20 : memref<640x128xf32, #tpu.memory_space<vmem_shared>>) dst(%dma_wait3A_18 : memref<640x128xf32, #tpu.memory_space<hbm>>)
      tpu.yield
    }) : () -> ()
    return
  }
}

module attributes {stable_mosaic.version = 14 : i64} {
  func.func @_tcA_body(%arg0: memref<10000x128xf32, #tpu.memory_space<vmem>>, %arg1: memref<128x128xf32, #tpu.memory_space<vmem>>, %arg2: memref<2x10240x128xf32, #tpu.memory_space<vmem>>, %arg3: memref<10240x128xf32, #tpu.memory_space<vmem>>, %arg4: memref<10240x1xf32, #tpu.memory_space<vmem>>) attributes {dimension_semantics = [], scalar_prefetch = 0 : i64, scratch_operands = 0 : i64, tpu.core_type = #tpu.core_type<tc>} {
    %get3A = arith.constant 0 : index
    %get3A_0 = arith.constant 0 : index
    %get3A_1 = arith.constant 0 : index
    %get3A_2 = vector.load %arg2[%get3A, %get3A_0, %get3A_1] : memref<2x10240x128xf32, #tpu.memory_space<vmem>>, vector<1x10000x1xf32>
    %get3A_3 = vector.shape_cast %get3A_2 : vector<1x10000x1xf32> to vector<10000x1xf32>
    %get3A_4 = arith.constant 1 : index
    %get3A_5 = arith.constant 0 : index
    %get3A_6 = arith.constant 0 : index
    %get3A_7 = vector.load %arg2[%get3A_4, %get3A_5, %get3A_6] : memref<2x10240x128xf32, #tpu.memory_space<vmem>>, vector<1x10000x1xf32>
    %get3A_8 = vector.shape_cast %get3A_7 : vector<1x10000x1xf32> to vector<10000x1xf32>
    %add3A = arith.addf %get3A_3, %get3A_8 : vector<10000x1xf32>
    %add3A_9 = arith.constant 1.000000e+00 : f32
    %add3A_10 = vector.broadcast %add3A_9 : f32 to vector<10000x1xf32>
    %add3A_11 = arith.addf %add3A, %add3A_10 : vector<10000x1xf32>
    %rsqrt3A = math.rsqrt %add3A_11 : vector<10000x1xf32>
    %swap3A = arith.constant 0 : index
    %swap3A_12 = arith.constant 0 : index
    %swap3A_13 = vector.load %arg4[%swap3A, %swap3A_12] : memref<10240x1xf32, #tpu.memory_space<vmem>>, vector<10000x1xf32>
    tpu.vector_store %arg4[%swap3A, %swap3A_12], %rsqrt3A {strides = array<i32>} : memref<10240x1xf32, #tpu.memory_space<vmem>>, vector<10000x1xf32>,
    %broadcast_in_dim3A = arith.constant 1.000000e+00 : f32
    %broadcast_in_dim3A_14 = vector.broadcast %broadcast_in_dim3A : f32 to vector<240x1xf32>
    %swap3A_15 = arith.constant 10000 : index
    %swap3A_16 = arith.constant 0 : index
    %swap3A_17 = vector.load %arg4[%swap3A_15, %swap3A_16] : memref<10240x1xf32, #tpu.memory_space<vmem>>, vector<240x1xf32>
    tpu.vector_store %arg4[%swap3A_15, %swap3A_16], %broadcast_in_dim3A_14 {strides = array<i32>} : memref<10240x1xf32, #tpu.memory_space<vmem>>, vector<240x1xf32>,
    %get3A_18 = arith.constant 0 : index
    %get3A_19 = arith.constant 0 : index
    %get3A_20 = vector.load %arg0[%get3A_18, %get3A_19] : memref<10000x128xf32, #tpu.memory_space<vmem>>, vector<10000x128xf32>
    %get3A_21 = arith.constant 0 : index
    %get3A_22 = arith.constant 0 : index
    %get3A_23 = vector.load %arg1[%get3A_21, %get3A_22] : memref<128x128xf32, #tpu.memory_space<vmem>>, vector<128x128xf32>
    %dot_general3A = arith.constant dense<0.000000e+00> : vector<10000x128xf32>
    %dot_general3A_24 = tpu.matmul %get3A_20, %get3A_23, %dot_general3A {dimension_numbers = #tpu.dot_dimension_numbers<[1], [0], [0], [1], [0, 0, 1, 1], [], []>, transpose_lhs_hint = false} : vector<10000x128xf32>, vector<128x128xf32>, vector<10000x128xf32> -> vector<10000x128xf32>
    %mul3A = vector.broadcast %rsqrt3A : vector<10000x1xf32> to vector<10000x128xf32>
    %mul3A_25 = arith.mulf %dot_general3A_24, %mul3A : vector<10000x128xf32>
    %swap3A_26 = arith.constant 0 : index
    %swap3A_27 = arith.constant 0 : index
    %swap3A_28 = vector.load %arg3[%swap3A_26, %swap3A_27] : memref<10240x128xf32, #tpu.memory_space<vmem>>, vector<10000x128xf32>
    tpu.vector_store %arg3[%swap3A_26, %swap3A_27], %mul3A_25 {strides = array<i32>} : memref<10240x128xf32, #tpu.memory_space<vmem>>, vector<10000x128xf32>,
    %broadcast_in_dim3A_29 = arith.constant 0.000000e+00 : f32
    %broadcast_in_dim3A_30 = vector.broadcast %broadcast_in_dim3A_29 : f32 to vector<240x128xf32>
    %swap3A_31 = arith.constant 10000 : index
    %swap3A_32 = arith.constant 0 : index
    %swap3A_33 = vector.load %arg3[%swap3A_31, %swap3A_32] : memref<10240x128xf32, #tpu.memory_space<vmem>>, vector<240x128xf32>
    tpu.vector_store %arg3[%swap3A_31, %swap3A_32], %broadcast_in_dim3A_30 {strides = array<i32>} : memref<10240x128xf32, #tpu.memory_space<vmem>>, vector<240x128xf32>,
    return
  }
}

module attributes {stable_mosaic.version = 14 : i64} {
  func.func @_tcC_body(%arg0: memref<2x10240x128xf32, #tpu.memory_space<vmem>>, %arg1: memref<10240x128xf32, #tpu.memory_space<vmem>>, %arg2: memref<10240x1xf32, #tpu.memory_space<vmem>>, %arg3: memref<1x128xf32, #tpu.memory_space<vmem>>, %arg4: memref<1x128xf32, #tpu.memory_space<vmem>>, %arg5: memref<1x128xf32, #tpu.memory_space<vmem>>, %arg6: memref<1x10000xi32, #tpu.memory_space<vmem>>, %arg7: memref<128x64xf32, #tpu.memory_space<vmem>>, %arg8: memref<1x64xf32, #tpu.memory_space<vmem>>, %arg9: memref<128x64xf32, #tpu.memory_space<vmem>>) attributes {dimension_semantics = [], scalar_prefetch = 0 : i64, scratch_operands = 0 : i64, tpu.core_type = #tpu.core_type<tc>} {
    %get3A = arith.constant 0 : index
    %get3A_0 = arith.constant 0 : index
    %get3A_1 = vector.load %arg2[%get3A, %get3A_0] : memref<10240x1xf32, #tpu.memory_space<vmem>>, vector<10000x1xf32>
    %get3A_2 = arith.constant 0 : index
    %get3A_3 = arith.constant 0 : index
    %get3A_4 = arith.constant 0 : index
    %get3A_5 = vector.load %arg0[%get3A_2, %get3A_3, %get3A_4] : memref<2x10240x128xf32, #tpu.memory_space<vmem>>, vector<1x10000x128xf32>
    %get3A_6 = vector.shape_cast %get3A_5 : vector<1x10000x128xf32> to vector<10000x128xf32>
    %get3A_7 = arith.constant 1 : index
    %get3A_8 = arith.constant 0 : index
    %get3A_9 = arith.constant 0 : index
    %get3A_10 = vector.load %arg0[%get3A_7, %get3A_8, %get3A_9] : memref<2x10240x128xf32, #tpu.memory_space<vmem>>, vector<1x10000x128xf32>
    %get3A_11 = vector.shape_cast %get3A_10 : vector<1x10000x128xf32> to vector<10000x128xf32>
    %add3A = arith.addf %get3A_6, %get3A_11 : vector<10000x128xf32>
    %get3A_12 = arith.constant 0 : index
    %get3A_13 = arith.constant 0 : index
    %get3A_14 = vector.load %arg1[%get3A_12, %get3A_13] : memref<10240x128xf32, #tpu.memory_space<vmem>>, vector<10000x128xf32>
    %add3A_15 = arith.addf %add3A, %get3A_14 : vector<10000x128xf32>
    %mul3A = vector.broadcast %get3A_1 : vector<10000x1xf32> to vector<10000x128xf32>
    %mul3A_16 = arith.mulf %add3A_15, %mul3A : vector<10000x128xf32>
    %get3A_17 = arith.constant 0 : index
    %get3A_18 = arith.constant 0 : index
    %get3A_19 = vector.load %arg3[%get3A_17, %get3A_18] : memref<1x128xf32, #tpu.memory_space<vmem>>, vector<1x128xf32>
    %add3A_20 = vector.broadcast %get3A_19 : vector<1x128xf32> to vector<10000x128xf32>
    %add3A_21 = arith.addf %mul3A_16, %add3A_20 : vector<10000x128xf32>
    %reduce_sum3A = arith.constant dense<0.000000e+00> : vector<128xf32>
    %reduce_sum3A_22 = vector.multi_reduction <add>, %add3A_21, %reduce_sum3A [0] : vector<10000x128xf32> to vector<128xf32>
    %broadcast_in_dim3A = vector.shape_cast %reduce_sum3A_22 : vector<128xf32> to vector<1x128xf32>
    %div3A = arith.constant 1.000000e+04 : f32
    %div3A_23 = vector.broadcast %div3A : f32 to vector<1x128xf32>
    %div3A_24 = arith.divf %broadcast_in_dim3A, %div3A_23 : vector<1x128xf32>
    %sub3A = vector.broadcast %div3A_24 : vector<1x128xf32> to vector<10000x128xf32>
    %sub3A_25 = arith.subf %add3A_21, %sub3A : vector<10000x128xf32>
    %mul3A_26 = arith.mulf %sub3A_25, %sub3A_25 : vector<10000x128xf32>
    %reduce_sum3A_27 = arith.constant dense<0.000000e+00> : vector<128xf32>
    %reduce_sum3A_28 = vector.multi_reduction <add>, %mul3A_26, %reduce_sum3A_27 [0] : vector<10000x128xf32> to vector<128xf32>
    %broadcast_in_dim3A_29 = vector.shape_cast %reduce_sum3A_28 : vector<128xf32> to vector<1x128xf32>
    %div3A_30 = arith.constant 1.000000e+04 : f32
    %div3A_31 = vector.broadcast %div3A_30 : f32 to vector<1x128xf32>
    %div3A_32 = arith.divf %broadcast_in_dim3A_29, %div3A_31 : vector<1x128xf32>
    %add3A_33 = arith.constant 9.99999974E-6 : f32
    %add3A_34 = vector.broadcast %add3A_33 : f32 to vector<1x128xf32>
    %add3A_35 = arith.addf %div3A_32, %add3A_34 : vector<1x128xf32>
    %rsqrt3A = math.rsqrt %add3A_35 : vector<1x128xf32>
    %mul3A_36 = vector.broadcast %rsqrt3A : vector<1x128xf32> to vector<10000x128xf32>
    %mul3A_37 = arith.mulf %sub3A_25, %mul3A_36 : vector<10000x128xf32>
    %get3A_38 = arith.constant 0 : index
    %get3A_39 = arith.constant 0 : index
    %get3A_40 = vector.load %arg4[%get3A_38, %get3A_39] : memref<1x128xf32, #tpu.memory_space<vmem>>, vector<1x128xf32>
    %mul3A_41 = vector.broadcast %get3A_40 : vector<1x128xf32> to vector<10000x128xf32>
    %mul3A_42 = arith.mulf %mul3A_37, %mul3A_41 : vector<10000x128xf32>
    %get3A_43 = arith.constant 0 : index
    %get3A_44 = arith.constant 0 : index
    %get3A_45 = vector.load %arg5[%get3A_43, %get3A_44] : memref<1x128xf32, #tpu.memory_space<vmem>>, vector<1x128xf32>
    %add3A_46 = vector.broadcast %get3A_45 : vector<1x128xf32> to vector<10000x128xf32>
    %add3A_47 = arith.addf %mul3A_42, %add3A_46 : vector<10000x128xf32>
    %max3A = arith.constant 0.000000e+00 : f32
    %max3A_48 = vector.broadcast %max3A : f32 to vector<10000x128xf32>
    %max3A_49 = arith.maximumf %add3A_47, %max3A_48 : vector<10000x128xf32>
    %iota3A = tpu.iota {dimensions = array<i32: 0>} : vector<128x10000xi32>
    %get3A_50 = arith.constant 0 : index
    %get3A_51 = arith.constant 0 : index
    %get3A_52 = vector.load %arg6[%get3A_50, %get3A_51] : memref<1x10000xi32, #tpu.memory_space<vmem>>, vector<1x10000xi32>
    %eq3A = vector.broadcast %get3A_52 : vector<1x10000xi32> to vector<128x10000xi32>
    %eq3A_53 = arith.cmpi eq, %eq3A, %iota3A : vector<128x10000xi32>
    %convert_element_type3A = arith.extui %eq3A_53 : vector<128x10000xi1> to vector<128x10000xi32>
    %convert_element_type3A_54 = arith.sitofp %convert_element_type3A : vector<128x10000xi32> to vector<128x10000xf32>
    %dot_general3A = arith.constant dense<0.000000e+00> : vector<128x128xf32>
    %dot_general3A_55 = tpu.matmul %convert_element_type3A_54, %max3A_49, %dot_general3A {dimension_numbers = #tpu.dot_dimension_numbers<[1], [0], [0], [1], [0, 0, 1, 1], [], []>, transpose_lhs_hint = false} : vector<128x10000xf32>, vector<10000x128xf32>, vector<128x128xf32> -> vector<128x128xf32>
    %reduce_sum3A_56 = arith.constant dense<0.000000e+00> : vector<128xf32>
    %reduce_sum3A_57 = vector.multi_reduction <add>, %convert_element_type3A_54, %reduce_sum3A_56 [1] : vector<128x10000xf32> to vector<128xf32>
    %broadcast_in_dim3A_58 = vector.shape_cast %reduce_sum3A_57 : vector<128xf32> to vector<128x1xf32>
    %max3A_59 = arith.constant 1.000000e+00 : f32
    %max3A_60 = vector.broadcast %max3A_59 : f32 to vector<128x1xf32>
    %max3A_61 = arith.maximumf %broadcast_in_dim3A_58, %max3A_60 : vector<128x1xf32>
    %div3A_62 = vector.broadcast %max3A_61 : vector<128x1xf32> to vector<128x128xf32>
    %div3A_63 = arith.divf %dot_general3A_55, %div3A_62 : vector<128x128xf32>
    %get3A_64 = arith.constant 0 : index
    %get3A_65 = arith.constant 0 : index
    %get3A_66 = vector.load %arg7[%get3A_64, %get3A_65] : memref<128x64xf32, #tpu.memory_space<vmem>>, vector<128x64xf32>
    %dot_general3A_67 = arith.constant dense<0.000000e+00> : vector<128x64xf32>
    %dot_general3A_68 = tpu.matmul %div3A_63, %get3A_66, %dot_general3A_67 {dimension_numbers = #tpu.dot_dimension_numbers<[1], [0], [0], [1], [0, 0, 1, 1], [], []>, transpose_lhs_hint = false} : vector<128x128xf32>, vector<128x64xf32>, vector<128x64xf32> -> vector<128x64xf32>
    %get3A_69 = arith.constant 0 : index
    %get3A_70 = arith.constant 0 : index
    %get3A_71 = vector.load %arg8[%get3A_69, %get3A_70] : memref<1x64xf32, #tpu.memory_space<vmem>>, vector<1x64xf32>
    %add3A_72 = vector.broadcast %get3A_71 : vector<1x64xf32> to vector<128x64xf32>
    %add3A_73 = arith.addf %dot_general3A_68, %add3A_72 : vector<128x64xf32>
    %swap3A = arith.constant 0 : index
    %swap3A_74 = arith.constant 0 : index
    %swap3A_75 = vector.load %arg9[%swap3A, %swap3A_74] : memref<128x64xf32, #tpu.memory_space<vmem>>, vector<128x64xf32>
    tpu.vector_store %arg9[%swap3A, %swap3A_74], %add3A_73 {strides = array<i32>} : memref<128x64xf32, #tpu.memory_space<vmem>>, vector<128x64xf32>,
    return
  }
}

module attributes {stable_mosaic.version = 14 : i64} {
  func.func @_tcB_body(%arg0: memref<2x10240x128xf32, #tpu.memory_space<vmem>>, %arg1: memref<10240x128xf32, #tpu.memory_space<vmem>>, %arg2: memref<10240x1xf32, #tpu.memory_space<vmem>>, %arg3: memref<1x128xf32, #tpu.memory_space<vmem>>, %arg4: memref<1x128xf32, #tpu.memory_space<vmem>>, %arg5: memref<1x128xf32, #tpu.memory_space<vmem>>, %arg6: memref<128x128xf32, #tpu.memory_space<vmem>>, %arg7: memref<10240x128xf32, #tpu.memory_space<vmem>>) attributes {dimension_semantics = [], scalar_prefetch = 0 : i64, scratch_operands = 0 : i64, tpu.core_type = #tpu.core_type<tc>} {
    %get3A = arith.constant 0 : index
    %get3A_0 = arith.constant 0 : index
    %get3A_1 = vector.load %arg2[%get3A, %get3A_0] : memref<10240x1xf32, #tpu.memory_space<vmem>>, vector<10000x1xf32>
    %get3A_2 = arith.constant 0 : index
    %get3A_3 = arith.constant 0 : index
    %get3A_4 = arith.constant 0 : index
    %get3A_5 = vector.load %arg0[%get3A_2, %get3A_3, %get3A_4] : memref<2x10240x128xf32, #tpu.memory_space<vmem>>, vector<1x10000x128xf32>
    %get3A_6 = vector.shape_cast %get3A_5 : vector<1x10000x128xf32> to vector<10000x128xf32>
    %get3A_7 = arith.constant 1 : index
    %get3A_8 = arith.constant 0 : index
    %get3A_9 = arith.constant 0 : index
    %get3A_10 = vector.load %arg0[%get3A_7, %get3A_8, %get3A_9] : memref<2x10240x128xf32, #tpu.memory_space<vmem>>, vector<1x10000x128xf32>
    %get3A_11 = vector.shape_cast %get3A_10 : vector<1x10000x128xf32> to vector<10000x128xf32>
    %add3A = arith.addf %get3A_6, %get3A_11 : vector<10000x128xf32>
    %get3A_12 = arith.constant 0 : index
    %get3A_13 = arith.constant 0 : index
    %get3A_14 = vector.load %arg1[%get3A_12, %get3A_13] : memref<10240x128xf32, #tpu.memory_space<vmem>>, vector<10000x128xf32>
    %add3A_15 = arith.addf %add3A, %get3A_14 : vector<10000x128xf32>
    %mul3A = vector.broadcast %get3A_1 : vector<10000x1xf32> to vector<10000x128xf32>
    %mul3A_16 = arith.mulf %add3A_15, %mul3A : vector<10000x128xf32>
    %get3A_17 = arith.constant 0 : index
    %get3A_18 = arith.constant 0 : index
    %get3A_19 = vector.load %arg3[%get3A_17, %get3A_18] : memref<1x128xf32, #tpu.memory_space<vmem>>, vector<1x128xf32>
    %add3A_20 = vector.broadcast %get3A_19 : vector<1x128xf32> to vector<10000x128xf32>
    %add3A_21 = arith.addf %mul3A_16, %add3A_20 : vector<10000x128xf32>
    %reduce_sum3A = arith.constant dense<0.000000e+00> : vector<128xf32>
    %reduce_sum3A_22 = vector.multi_reduction <add>, %add3A_21, %reduce_sum3A [0] : vector<10000x128xf32> to vector<128xf32>
    %broadcast_in_dim3A = vector.shape_cast %reduce_sum3A_22 : vector<128xf32> to vector<1x128xf32>
    %div3A = arith.constant 1.000000e+04 : f32
    %div3A_23 = vector.broadcast %div3A : f32 to vector<1x128xf32>
    %div3A_24 = arith.divf %broadcast_in_dim3A, %div3A_23 : vector<1x128xf32>
    %sub3A = vector.broadcast %div3A_24 : vector<1x128xf32> to vector<10000x128xf32>
    %sub3A_25 = arith.subf %add3A_21, %sub3A : vector<10000x128xf32>
    %mul3A_26 = arith.mulf %sub3A_25, %sub3A_25 : vector<10000x128xf32>
    %reduce_sum3A_27 = arith.constant dense<0.000000e+00> : vector<128xf32>
    %reduce_sum3A_28 = vector.multi_reduction <add>, %mul3A_26, %reduce_sum3A_27 [0] : vector<10000x128xf32> to vector<128xf32>
    %broadcast_in_dim3A_29 = vector.shape_cast %reduce_sum3A_28 : vector<128xf32> to vector<1x128xf32>
    %div3A_30 = arith.constant 1.000000e+04 : f32
    %div3A_31 = vector.broadcast %div3A_30 : f32 to vector<1x128xf32>
    %div3A_32 = arith.divf %broadcast_in_dim3A_29, %div3A_31 : vector<1x128xf32>
    %add3A_33 = arith.constant 9.99999974E-6 : f32
    %add3A_34 = vector.broadcast %add3A_33 : f32 to vector<1x128xf32>
    %add3A_35 = arith.addf %div3A_32, %add3A_34 : vector<1x128xf32>
    %rsqrt3A = math.rsqrt %add3A_35 : vector<1x128xf32>
    %mul3A_36 = vector.broadcast %rsqrt3A : vector<1x128xf32> to vector<10000x128xf32>
    %mul3A_37 = arith.mulf %sub3A_25, %mul3A_36 : vector<10000x128xf32>
    %get3A_38 = arith.constant 0 : index
    %get3A_39 = arith.constant 0 : index
    %get3A_40 = vector.load %arg4[%get3A_38, %get3A_39] : memref<1x128xf32, #tpu.memory_space<vmem>>, vector<1x128xf32>
    %mul3A_41 = vector.broadcast %get3A_40 : vector<1x128xf32> to vector<10000x128xf32>
    %mul3A_42 = arith.mulf %mul3A_37, %mul3A_41 : vector<10000x128xf32>
    %get3A_43 = arith.constant 0 : index
    %get3A_44 = arith.constant 0 : index
    %get3A_45 = vector.load %arg5[%get3A_43, %get3A_44] : memref<1x128xf32, #tpu.memory_space<vmem>>, vector<1x128xf32>
    %add3A_46 = vector.broadcast %get3A_45 : vector<1x128xf32> to vector<10000x128xf32>
    %add3A_47 = arith.addf %mul3A_42, %add3A_46 : vector<10000x128xf32>
    %max3A = arith.constant 0.000000e+00 : f32
    %max3A_48 = vector.broadcast %max3A : f32 to vector<10000x128xf32>
    %max3A_49 = arith.maximumf %add3A_47, %max3A_48 : vector<10000x128xf32>
    %get3A_50 = arith.constant 0 : index
    %get3A_51 = arith.constant 0 : index
    %get3A_52 = vector.load %arg6[%get3A_50, %get3A_51] : memref<128x128xf32, #tpu.memory_space<vmem>>, vector<128x128xf32>
    %dot_general3A = arith.constant dense<0.000000e+00> : vector<10000x128xf32>
    %dot_general3A_53 = tpu.matmul %max3A_49, %get3A_52, %dot_general3A {dimension_numbers = #tpu.dot_dimension_numbers<[1], [0], [0], [1], [0, 0, 1, 1], [], []>, transpose_lhs_hint = false} : vector<10000x128xf32>, vector<128x128xf32>, vector<10000x128xf32> -> vector<10000x128xf32>
    %mul3A_54 = vector.broadcast %get3A_1 : vector<10000x1xf32> to vector<10000x128xf32>
    %mul3A_55 = arith.mulf %dot_general3A_53, %mul3A_54 : vector<10000x128xf32>
    %swap3A = arith.constant 0 : index
    %swap3A_56 = arith.constant 0 : index
    %swap3A_57 = vector.load %arg7[%swap3A, %swap3A_56] : memref<10240x128xf32, #tpu.memory_space<vmem>>, vector<10000x128xf32>
    tpu.vector_store %arg7[%swap3A, %swap3A_56], %mul3A_55 {strides = array<i32>} : memref<10240x128xf32, #tpu.memory_space<vmem>>, vector<10000x128xf32>,
    %broadcast_in_dim3A_58 = arith.constant 0.000000e+00 : f32
    %broadcast_in_dim3A_59 = vector.broadcast %broadcast_in_dim3A_58 : f32 to vector<240x128xf32>
    %swap3A_60 = arith.constant 10000 : index
    %swap3A_61 = arith.constant 0 : index
    %swap3A_62 = vector.load %arg7[%swap3A_60, %swap3A_61] : memref<10240x128xf32, #tpu.memory_space<vmem>>, vector<240x128xf32>
    tpu.vector_store %arg7[%swap3A_60, %swap3A_61], %broadcast_in_dim3A_59 {strides = array<i32>} : memref<10240x128xf32, #tpu.memory_space<vmem>>, vector<240x128xf32>,
    return
  }
}

</mosaic_0001>

<sc_bundles>
// kernel: kernel.10.cloned.1.call-start
scs
__scs_entry_jumppad:
0x0: {  	(pc) =	sbr.rel $0x88, $3  }
0x1: {  	(tag) =	ssettag $0x0;
	lr =	simm.s32 $0x1  }
0x2: {  	[smem:$0x3F90] =	sst lr;
	_ =	strace $0xD0000000  }
0x3: {  	_ = 	snop  }
0x4: {  	_ = 	snop  }
0x5: {  	_ = 	snop  }
0x6: {  	_ = 	snop  }
0x7: {  	_ = 	snop  }
__scs_overlays_trampoline_lowered:
0x8: {  	[smem:$0x3F9F] =	sst s0  }
0x9: {  	[smem:$0x3FA0] =	sst s1  }
0xa: {  	[smem:$0x3FA1] =	sst s2  }
0xb: {  	[smem:$0x3FA2] =	sst s3  }
0xc: {  	[smem:$0x3FA3] =	sst s4  }
0xd: {  	[smem:$0x3FA4] =	sst s5  }
0xe: {  	[smem:$0x3FA5] =	sst s6  }
0xf: {  	[smem:$0x3FA6] =	sst s7  }
0x10: {  	[smem:$0x3FA7] =	sst s8  }
0x11: {  	[smem:$0x3FA8] =	sst s9;
	s0 =	simm.s32 @!p0 $0x0  }
0x12: {  	s1 =	sld [smem:$0x3F8E];
	s0 =	simm.s32 @p0 $0x1  }
0x13: {  	[smem:$0x3FA9] =	sst s0;
	s0 =	simm.s32 @!p1 $0x0  }
0x14: {  	s2 =	sld [smem:$0x3F8D];
	s0 =	simm.s32 @p1 $0x1  }
0x15: {  	[smem:$0x3FAA] =	sst s0;
	s0 =	simm.s32 @!p2 $0x0  }
0x16: {  	s3 =	sld [smem:$0x3FDB];
	s0 =	simm.s32 @p2 $0x1  }
0x17: {  	s4 =	simm.s32 $0x1BF5;
	[smem:$0x3FAC] =	sst s0  }
0x18: {  	s0 =	sld [smem:$0x3F8F];
	_ =	swait.ge [sflag:s4], $0x0  }
0x19: {  	s7 =	sld [smem:$0x3F90]  }
0x1a: {  	s8 =	sadd.s32 $0xFFFFE003, lr  }
0x1b: {  	s9 =	sadd.s32 $0xFFFFFEF7, lr;
	s5 =	simm.s32 $0xFFFFFFFF;
	p2 =	slt.u32 s8, $0xFFFFF086  }
0x1c: {  	p1 =	slt.u32 s9, $0xF7A;
	s5 =	simm.s32 @!p2 $0x0  }
0x1d: {  	s5 =	simm.s32 @p1 $0x1;
	p0 =	seq.s32 s7, s2  }
0x1e: {  	s7 =	smul.u32 @!p0 $0xF7A, s2;
	p2 =	seq.s32 @!p0 s5, $0x0  }
0x1f: {  	s9 =	smul.u32 $0xF7A, s1;
	s8 =	simm.s32 @!p0 $0x1BF5;
	p2 =	por !p2, p0  }
0x20: {  	[sflag:s8] =	ssyncset.s32 @!p0 $0xFFFFF086;
	s6 =	sadd.s32 @!p0 s3, s7;
	s7 =	simm.s32 @!p0 $0x108  }
0x21: {  	s3 =	sadd.s32 s3, s9;
	s6 =	sadd.s32 @!p0 $0x88, s6;
	s7 =	simm.s32 @p2 $0x1082  }
0x22: {  	[simem:s7], [sflag:s8] =	dma.local @!p0 [hbm:s6], $0xF7A  }
0x23: {  	s9 =	sor.u32 $0xD0000000, s2;
	s6 =	simm.s32 $0x108;
	_ =	swait.ge @!p0 [sflag:s8], $0x0  }
0x24: {  	s3 =	sadd.s32 $0x88, s3;
	s6 =	simm.s32 @!p1 $0x1082;
	[sflag:s4] =	ssyncset.s32 $0xFFFFF086  }
0x25: {  	[simem:s6], [sflag:s4] =	dma.local [hbm:s3], $0xF7A  }
0x26: {  	[smem:$0x3F90] =	sst s1;
	(tag) =	ssettag s2;
	_ =	strace s9  }
0x27: {  	s1 =	sld [smem:$0x3FA0]  }
0x28: {  	s2 =	sld [smem:$0x3FA1]  }
0x29: {  	s4 =	sld [smem:$0x3FA3]  }
0x2a: {  	p0 =	seq.s32 s5, $0x0;
	s5 =	sld [smem:$0x3FA4]  }
0x2b: {  	s6 =	sld [smem:$0x3FA5]  }
0x2c: {  	s7 =	sld [smem:$0x3FA6]  }
0x2d: {  	s3 =	simm.s32 $0x108;
	s8 =	sld [smem:$0x3FA7]  }
0x2e: {  	s3 =	simm.s32 @!p0 $0x1082;
	s9 =	sld [smem:$0x3FA8]  }
0x2f: {  	lr =	sadd.s32 s0, s3;
	s0 =	sld [smem:$0x3F9F]  }
0x30: {  	s3 =	sld [smem:$0x3FA2]  }
0x31: {  	[smem:$0x3FAB] =	sst s10  }
0x32: {  	s10 =	sld [smem:$0x3FA9];
	_ =	sdelay $0x3  }
0x33: {  	p0 =	seq.s32 s10, $0x1;
	s10 =	sld [smem:$0x3FAB];
	_ =	sdelay $0x3  }
0x34: {  	[smem:$0x3FAB] =	sst s10  }
0x35: {  	s10 =	sld [smem:$0x3FAA];
	_ =	sdelay $0x3  }
0x36: {  	p1 =	seq.s32 s10, $0x1;
	s10 =	sld [smem:$0x3FAB];
	_ =	sdelay $0x3  }
0x37: {  	[smem:$0x3FAB] =	sst s10  }
0x38: {  	s10 =	sld [smem:$0x3FAC]  }
0x39: {  	_ = 	snop;
	(pc) =	sbr.ind lr, $3  }
0x3a: {  	_ = 	snop  }
0x3b: {  	_ = 	snop  }
0x3c: {  	p2 =	seq.s32 s10, $0x1;
	s10 =	sld [smem:$0x3FAB]  }
0x3d: {  	_ =	shalt  }
0x3e: {  	_ =	shalt  }
0x3f: {  	_ =	shalt  }
0x40: {  	_ =	shalt  }
0x41: {  	_ =	shalt  }
0x42: {  	_ =	shalt  }
0x43: {  	_ =	shalt  }
0x44: {  	_ =	shalt  }
0x45: {  	_ =	shalt  }
0x46: {  	_ =	shalt  }
0x47: {  	_ =	shalt  }
0x48: {  	_ =	shalt  }
0x49: {  	_ =	shalt  }
0x4a: {  	_ =	shalt  }
0x4b: {  	_ =	shalt  }
0x4c: {  	_ =	shalt  }
0x4d: {  	_ =	shalt  }
0x4e: {  	_ =	shalt  }
0x4f: {  	_ =	shalt  }
0x50: {  	_ =	shalt  }
0x51: {  	_ =	shalt  }
0x52: {  	_ =	shalt  }
0x53: {  	_ =	shalt  }
0x54: {  	_ =	shalt  }
0x55: {  	_ =	shalt  }
0x56: {  	_ =	shalt  }
0x57: {  	_ =	shalt  }
0x58: {  	_ =	shalt  }
0x59: {  	_ =	shalt  }
0x5a: {  	_ =	shalt  }
0x5b: {  	_ =	shalt  }
0x5c: {  	_ =	shalt  }
0x5d: {  	_ =	shalt  }
0x5e: {  	_ =	shalt  }
0x5f: {  	_ =	shalt  }
0x60: {  	_ =	shalt  }
0x61: {  	_ =	shalt  }
0x62: {  	_ =	shalt  }
0x63: {  	_ =	shalt  }
0x64: {  	_ =	shalt  }
0x65: {  	_ =	shalt  }
0x66: {  	_ =	shalt  }
0x67: {  	_ =	shalt  }
0x68: {  	_ =	shalt  }
0x69: {  	_ =	shalt  }
0x6a: {  	_ =	shalt  }
0x6b: {  	_ =	shalt  }
0x6c: {  	_ =	shalt  }
0x6d: {  	_ =	shalt  }
0x6e: {  	_ =	shalt  }
0x6f: {  	_ =	shalt  }
0x70: {  	_ =	shalt  }
0x71: {  	_ =	shalt  }
0x72: {  	_ =	shalt  }
0x73: {  	_ =	shalt  }
0x74: {  	_ =	shalt  }
0x75: {  	_ =	shalt  }
0x76: {  	_ =	shalt  }
0x77: {  	_ =	shalt  }
0x78: {  	_ =	shalt  }
0x79: {  	_ =	shalt  }
0x7a: {  	_ =	shalt  }
0x7b: {  	_ =	shalt  }
0x7c: {  	_ =	shalt  }
0x7d: {  	_ =	shalt  }
0x7e: {  	_ =	shalt  }
0x7f: {  	_ =	shalt  }
0x80: {  	_ =	shalt  }
0x81: {  	_ =	shalt  }
0x82: {  	_ =	shalt  }
0x83: {  	_ =	shalt  }
0x84: {  	_ =	shalt  }
0x85: {  	_ =	shalt  }
0x86: {  	_ =	shalt  }
0x87: {  	_ =	shalt  }
.Lfunc_end0:
.L_simem_size_0:
called_computation_lowered:
.L_overlay_start_0:
0x88: {  	s2 =	sld [smem:$0x3FD9]  }
0x89: {  	s3 =	sld [smem:$0x3FFE];
	_ =	sdelay $0x1  }
0x8a: {  	s1 =	srdreg.scid  }
0x8b: {  	s0 =	sand.u32 $0x1, s1  }
0x8c: {  	s16 =	sshll.u32 s0, $0xA;
	s2 =	sadd.s32 s3, s2  }
0x8d: {  	s2 =	sadd.s32 s2, s16  }
0x8e: {  	[smem:$0x3FB7] =	sst s2  }
0x8f: {  	_ = 	snop  }
0x90: {  	(tm) =	ssettm $0x1  }
0x91: {  	s17 =	sld [smem:$0x3FFB];
	_ =	sdelay $0x3  }
0x92: {  	_ =	strace s17  }
0x93: {  	s2 =	sld [smem:$0x3FFC];
	_ =	sdelay $0x3  }
0x94: {  	_ =	strace s2  }
0x95: {  	s2 =	sld [smem:$0x3FFD];
	_ =	sdelay $0x3  }
0x96: {  	_ =	strace s2  }
0x97: {  	_ =	strace $0x8FFFFFFF  }
0x98: {  	s18 =	sld [smem:$0x3FDB];
	_ =	sdelay $0x1  }
0x99: {  	s19 =	simm.s32 $_scs_section_size  }
0x9a: {  	s4 =	simm.s32 $_size__tile_overlayer_lowered;
	s5 =	simm.s32 $_tile_overlayer_lowered  }
0x9b: {  	s22 =	simm.s32 $0x1BFF;
	s21 =	sshll.u32 s5, $0x1;
	s2 =	sadd.s32 s19, s18  }
0x9c: {  	s6 =	simm.s32 $0x0;
	s20 =	sshll.u32 s4, $0x1;
	s4 =	sadd.s32 s21, s2  }
0x9d: {  	[timem:s6], [sflag:s22] =	dma.local [hbm:s4], s20  }
0x9e: {  	_ =	swait.ge [sflag:s22], s20  }
0x9f: {  	s3 =	ssub.s32 $0x0, s20;
	[sflag:s22] =	ssyncset.done $0x0  }
0xa0: {  	[sflag:s22] =	ssyncadd.s32 s3;
	_ =	sdelay $0x1  }
0xa1: {  	s23 =	simm.s32 $0x1B8B  }
0xa2: {  	_ =	swait.ge [sflag:s23], $0x1  }
0xa3: {  	[sflag:s23] =	ssyncset.done $0x0  }
0xa4: {  	s25 =	simm.s32 $0x1B8E;
	s24 =	sld [smem:$0x3FFE];
	[sflag:s23] =	ssyncadd.s32 $0xFFFFFFFF  }
0xa5: {  	s26 =	simm.s32 $execute0_lowered;
	[smem:$0x3FD2] =	sst s25  }
0xa6: {  	s4 =	sshll.u32 s26, $0x1;
	_ =	strace $0x80000046;
	[dreg:$0x1] =	wrdreg $0xFFFFFFFF  }
0xa7: {  	s28 =	simm.s32 $_size_execute0_lowered;
	s2 =	sadd.s32 s2, s4;
	[dreg:$0x0] =	wrdreg $0x0  }
0xa8: {  	s4 =	sshll.u32 s28, $0x1;
	[dreg:$0x2] =	wrdreg s2  }
0xa9: {  	[dreg:$0x3] =	wrdreg s4  }
0xaa: {  	[dreg:$0x4] =	wrdreg $0xC0  }
0xab: {  	_ =	task [dreg:s6], $0x5FFFF  }
0xac: {  	[dreg:$0x1] =	wrdreg $0xFFFFFFFF  }
0xad: {  	[dreg:$0x0] =	wrdreg $0x60  }
0xae: {  	[dreg:$0x2] =	wrdreg s24  }
0xaf: {  	[dreg:$0x3] =	wrdreg $0x54000  }
0xb0: {  	[dreg:$0x4] =	wrdreg $0x9  }
0xb1: {  	_ =	task.clear_ibuf [dreg:s6], $0x5FFFF;
	_ =	strace $0x90000046  }
0xb2: {  	s29 =	simm.s32 $0x9;
	_ =	strace $0x80000048  }
0xb3: {  	_ =	swait.ge [sflag:s29], $0x1  }
0xb4: {  	[sflag:s29] =	ssyncadd.s32 $0xFFFFFFFF  }
0xb5: {  	_ =	strace $0x90000048  }
0xb6: {  	_ =	sfence  }
0xb7: {  	s30 =	sld [smem:$0x0];
	_ =	sdelay $0x2  }
0xb8: {  	s31 =	sshll.u32 s1, $0xD;
	s1 =	sshrl.u32 s1, $0x2  }
0xb9: {  	s3 =	sand.u32 $0x4000, s31;
	s1 =	sadd.s32 s1, s30  }
0xba: {  	s0 =	sor.u32 s3, s0;
	s1 =	sshll.u32 s1, $0x11  }
0xbb: {  	s0 =	sor.u32 s1, s0  }
0xbc: {  	s0 =	sadd.s32 $0x8F2B, s0  }
0xbd: {  	[sflag:s0] =	ssyncadd.remote.s32 $0x1  }
0xbe: {  	_ =	sfence.sel $0xFFFF  }
0xbf: {  	[dreg:$0x0] =	wrdreg $0xFFFFFFFF;
	(pc) =	sbr.abs _section_cstart, $3  }
0xc0: {  	[dreg:$0x1] =	wrdreg $0xFFFFFFFF  }
0xc1: {  	_ =	task.clear_ibuf [dreg:s6], $0x2FFFF;
	_ =	strace $0x9FFFFFFF  }
0xc2: {  	(tm) =	ssettm $0x7FFFFFFF  }
0xc3: {  	_ =	shalt  }
tec
execute0_lowered:
.L_overlay_start_1:
0x0: {  	(tag) =	ssettag $0x1  }
0x1: {  	s5 =	rddreg [dreg:$0x0];
	s0 =	srdreg.scid  }
0x2: {  	s2 =	rddreg [dreg:$0x1];
	s1 =	stileid.u32  }
0x3: {  	s3 =	simm.s32 $0x0;
	s14 =	simm.s32 $0x80;
	s7 =	smul.u32 $0x2800, s1  }
0x4: {  	s6 =	sand.u32 $0x1, s0;
	s0 =	rddreg [dreg:$0x2];
	s8 =	smul.u32 $0x14000, s1  }
0x5: {  	s15 =	simm.s32 $0x0;
	[smem:$0x7FF] =	sst s3;
	s11 =	smul.u32 $0x50000, s1  }
0x6: {  	s12 =	sshll.u32 s1, $0x6;
	s4 =	smul.u32 $0x28000, s6;
	_ =	strace $0x80000047  }
0x7: {  	s9 =	smul.u32 $0x140000, s6;
	s6 =	ssub.s32 $0x2, s6;
	s12 =	sor.u32 $0x1C01, s12  }
0x8: {  	s30 =	sshrl.u32 s8, $0x3;
	s31 =	sshrl.u32 s6, $0x1;
	s11 =	sshrl.u32 s11, $0x2  }
0x9: {  	s7 =	sadd.s32 s7, s4;
	s4 =	sadd.s32 $0x40600, s5;
	s8 =	sadd.s32 s8, s9  }
0xa: {  	s9 =	ssub.s32 s6, s31;
	s13 =	sadd.s32 s11, s2;
	s11 =	simm.s32 $0x1  }
0xb: {  	s7 =	sshrl.u32 s7, $0x3;
	s8 =	sshrl.u32 s8, $0x3;
	s13 =	sshrl.u32 s13, $0x3  }
0xc: {  	s10 =	sadd.s32 s7, s5;
	s7 =	sadd.s32 s30, s5;
	s8 =	sadd.s32 s8, s5  }
0xd: {  	s5 =	sadd.s32 $0x18600, s7;
	s6 =	sadd.s32 $0x40E00, s8;
	s7 =	smax.u32 s9, $0x1  }
0xe: {  	s8 =	sadd.s32 $0x4600, s10;
	s9 =	sadd.s32 $0x4880, s10;
	s10 =	simm.s32 $0x1400  }
.LBB2_1:
0xf: {  	[tilespmem:s10], [sflag:$0x1] =	stream.linear.gather [hbm4b:s4+s3], $0x4000, $0x38;
	[tilespmem:$0x19400] =	vst v63  }
0x10: {  	_ =	swait.ge [sflag:s11], $0x4000  }
0x11: {  	[sflag:s11] =	ssyncset.done $0x0  }
0x12: {  	[sflag:s11] =	ssyncadd.s32 $0xFFFFC000  }
0x13: {  	[spmem:s13], [sflag:s12] =	dma.local [hbm:s5], $0x2800  }
0x14: {  	_ =	swait.ge [sflag:s11], $0x2800  }
0x15: {  	[sflag:s11] =	ssyncset.done $0x0  }
0x16: {  	[sflag:s11] =	ssyncadd.s32 $0xFFFFD800  }
0x17: {  	[bflag:$0x0] =	sbarrier.arrive $0xFFFF  }
0x18: {  	[tilespmem:s3], [sflag:$0x1] =	stream.linear.gather [hbm4b:s8+s3], $0x1400, $0x38;
	[tilespmem:$0x19400] =	vst v63  }
0x19: {  	_ =	swait.ge [sflag:s11], $0x1400  }
0x1a: {  	[sflag:s11] =	ssyncset.done $0x0  }
0x1b: {  	s16 =	simm.s32 $0x0;
	[sflag:s11] =	ssyncadd.s32 $0xFFFFEC00  }
0x1c: {  	[spmem:s2] =	stream.indirect.scatter.add.f32 [tilespmem:s10], [sflag:$0x1], $0x80, s16, s14, $0xb8;
	[tilespmem:$0x19400] =	vst v63  }
0x1d: {  	_ =	swait.ge [sflag:s11], $0x4000  }
0x1e: {  	s16 =	simm.s32 $0x200;
	[sflag:s11] =	ssyncset.done $0x0  }
.LBB2_2:
0x1f: {  	s17 =	sshra.s32 s16, $0x2;
	[sflag:s11] =	ssyncadd.s32 $0xFFFFC000;
	p0 =	sne.s32 s16, $0x4E00  }
0x20: {  	[spmem:s2] =	stream.indirect.scatter.add.f32 [tilespmem:s10], [sflag:$0x1], $0x80, s17, s14, $0xb8;
	[tilespmem:$0x19400] =	vst v63  }
.Ltmp0:
0x21: {  	_ = 	snop;
	(pc) =	sbr.rel @p0 .LBB2_2-.Ltmp0, $4  }
0x22: {  	_ = 	snop  }
0x23: {  	s16 =	sadd.s32 $0x200, s16  }
0x24: {  	_ =	swait.ge [sflag:s11], $0x4000  }
0x25: {  	[sflag:s11] =	ssyncset.done $0x0  }
0x26: {  	[sflag:s11] =	ssyncadd.s32 $0xFFFFC000;
	s16 =	simm.s32 $0x0  }
0x27: {  	[tilespmem:s16], [sflag:$0x1] =	stream.linear.gather [hbm4b:s9+s16], $0x1400, $0x38;
	[tilespmem:$0x19400] =	vst v63  }
0x28: {  	_ =	swait.ge [sflag:s11], $0x1400  }
0x29: {  	[sflag:s11] =	ssyncset.done $0x0  }
0x2a: {  	s31 =	simm.s32 $0x0;
	[sflag:s11] =	ssyncadd.s32 $0xFFFFEC00  }
0x2b: {  	[spmem:s2] =	stream.indirect.scatter.add.f32 [tilespmem:s10], [sflag:$0x1], $0x80, s31, s14, $0xb8;
	[tilespmem:$0x19400] =	vst v63  }
0x2c: {  	_ =	swait.ge [sflag:s11], $0x4000  }
0x2d: {  	s16 =	simm.s32 $0x200;
	[sflag:s11] =	ssyncset.done $0x0  }
.LBB2_4:
0x2e: {  	s17 =	sshra.s32 s16, $0x2;
	[sflag:s11] =	ssyncadd.s32 $0xFFFFC000;
	p0 =	sne.s32 s16, $0x4E00  }
0x2f: {  	[spmem:s2] =	stream.indirect.scatter.add.f32 [tilespmem:s10], [sflag:$0x1], $0x80, s17, s14, $0xb8;
	[tilespmem:$0x19400] =	vst v63  }
.Ltmp1:
0x30: {  	_ = 	snop;
	(pc) =	sbr.rel @p0 .LBB2_4-.Ltmp1, $4  }
0x31: {  	_ = 	snop  }
0x32: {  	s16 =	sadd.s32 $0x200, s16  }
0x33: {  	_ =	swait.ge [sflag:s11], $0x4000  }
0x34: {  	[sflag:s11] =	ssyncset.done $0x0  }
0x35: {  	s15 =	sadd.s32 $0x1, s15  }
0x36: {  	[sflag:s11] =	ssyncadd.s32 $0xFFFFC000;
	p0 =	sne.s32 s15, s7  }
.Ltmp2:
0x37: {  	[bflag:$0x0] =	sbarrier.arrive $0xFFFF;
	(pc) =	sbr.rel @p0 .LBB2_1-.Ltmp2, $4  }
0x38: {  	[hbm:s6], [sflag:s12] =	dma.local [spmem:s13], $0x2800  }
0x39: {  	_ =	swait.ge [sflag:s11], $0x2800  }
0x3a: {  	[sflag:s11] =	ssyncset.done $0x0  }
0x3b: {  	[sflag:s11] =	ssyncadd.s32 $0xFFFFD800  }
0x3c: {  	_ =	sfence.sel $0x180000  }
0x3d: {  	[bflag:$0x0] =	sbarrier.arrive $0xFFFF  }
0x3e: {  	p0 =	sne.s32 s1, $0x0;
	_ =	strace $0x90000047  }
0x3f: {  	s0 =	sadd.s32 @!p0 $0x100000, s0;
	[bflag:$0x2] =	sbarrier.arrive $0xFFFF  }
0x40: {  	[sflag:s0] =	ssyncadd.tile.s32 @!p0 $0x1;
	_ =	shalt  }
.Lfunc_end2:
_tile_overlayer_lowered:
.L_overlay_start_2:
0x41: {  	(tag) =	ssettag $0x2  }
0x42: {  	s0 =	rddreg [dreg:$0x0];
	s2 =	stileid.u32  }
0x43: {  	s1 =	rddreg [dreg:$0x1];
	p0 =	sne.s32 s2, $0x0  }
0x44: {  	s3 =	rddreg [dreg:$0x2];
	[bflag:$0x3] =	sbarrier.arrive $0xFFFF;
	s2 =	simm.s32 @!p0 $0x1C01  }
0x45: {  	[timem:s3], [sflag:s2] =	dma.local @!p0 [hbm:s0], s1  }
0x46: {  	s0 =	simm.s32 @!p0 $0x1  }
0x47: {  	_ =	swait.ge @!p0 [sflag:s0], s1  }
0x48: {  	s1 =	ssub.s32 @!p0 $0x0, s1;
	[sflag:s0] =	ssyncset.done @!p0 $0x0  }
0x49: {  	[sflag:s0] =	ssyncadd.s32 @!p0 s1  }
0x4a: {  	[bflag:$0x3] =	sbarrier.arrive $0xFFFF  }
0x4b: {  	_ =	shalt  }

// kernel: kernel.13.cloned.1.call-start
scs
__scs_entry_jumppad:
0x0: {  	(pc) =	sbr.rel $0x88, $3  }
0x1: {  	(tag) =	ssettag $0x0;
	lr =	simm.s32 $0x1  }
0x2: {  	[smem:$0x3F90] =	sst lr;
	_ =	strace $0xD0000000  }
0x3: {  	_ = 	snop  }
0x4: {  	_ = 	snop  }
0x5: {  	_ = 	snop  }
0x6: {  	_ = 	snop  }
0x7: {  	_ = 	snop  }
__scs_overlays_trampoline_lowered:
0x8: {  	[smem:$0x3F9F] =	sst s0  }
0x9: {  	[smem:$0x3FA0] =	sst s1  }
0xa: {  	[smem:$0x3FA1] =	sst s2  }
0xb: {  	[smem:$0x3FA2] =	sst s3  }
0xc: {  	[smem:$0x3FA3] =	sst s4  }
0xd: {  	[smem:$0x3FA4] =	sst s5  }
0xe: {  	[smem:$0x3FA5] =	sst s6  }
0xf: {  	[smem:$0x3FA6] =	sst s7  }
0x10: {  	[smem:$0x3FA7] =	sst s8  }
0x11: {  	[smem:$0x3FA8] =	sst s9;
	s0 =	simm.s32 @!p0 $0x0  }
0x12: {  	s1 =	sld [smem:$0x3F8E];
	s0 =	simm.s32 @p0 $0x1  }
0x13: {  	[smem:$0x3FA9] =	sst s0;
	s0 =	simm.s32 @!p1 $0x0  }
0x14: {  	s2 =	sld [smem:$0x3F8D];
	s0 =	simm.s32 @p1 $0x1  }
0x15: {  	[smem:$0x3FAA] =	sst s0;
	s0 =	simm.s32 @!p2 $0x0  }
0x16: {  	s3 =	sld [smem:$0x3FDB];
	s0 =	simm.s32 @p2 $0x1  }
0x17: {  	s4 =	simm.s32 $0x1BF5;
	[smem:$0x3FAC] =	sst s0  }
0x18: {  	s0 =	sld [smem:$0x3F8F];
	_ =	swait.ge [sflag:s4], $0x0  }
0x19: {  	s7 =	sld [smem:$0x3F90]  }
0x1a: {  	s8 =	sadd.s32 $0xFFFFE003, lr  }
0x1b: {  	s9 =	sadd.s32 $0xFFFFFEF7, lr;
	s5 =	simm.s32 $0xFFFFFFFF;
	p2 =	slt.u32 s8, $0xFFFFF086  }
0x1c: {  	p1 =	slt.u32 s9, $0xF7A;
	s5 =	simm.s32 @!p2 $0x0  }
0x1d: {  	s5 =	simm.s32 @p1 $0x1;
	p0 =	seq.s32 s7, s2  }
0x1e: {  	s7 =	smul.u32 @!p0 $0xF7A, s2;
	p2 =	seq.s32 @!p0 s5, $0x0  }
0x1f: {  	s9 =	smul.u32 $0xF7A, s1;
	s8 =	simm.s32 @!p0 $0x1BF5;
	p2 =	por !p2, p0  }
0x20: {  	[sflag:s8] =	ssyncset.s32 @!p0 $0xFFFFF086;
	s6 =	sadd.s32 @!p0 s3, s7;
	s7 =	simm.s32 @!p0 $0x108  }
0x21: {  	s3 =	sadd.s32 s3, s9;
	s6 =	sadd.s32 @!p0 $0x88, s6;
	s7 =	simm.s32 @p2 $0x1082  }
0x22: {  	[simem:s7], [sflag:s8] =	dma.local @!p0 [hbm:s6], $0xF7A  }
0x23: {  	s9 =	sor.u32 $0xD0000000, s2;
	s6 =	simm.s32 $0x108;
	_ =	swait.ge @!p0 [sflag:s8], $0x0  }
0x24: {  	s3 =	sadd.s32 $0x88, s3;
	s6 =	simm.s32 @!p1 $0x1082;
	[sflag:s4] =	ssyncset.s32 $0xFFFFF086  }
0x25: {  	[simem:s6], [sflag:s4] =	dma.local [hbm:s3], $0xF7A  }
0x26: {  	[smem:$0x3F90] =	sst s1;
	(tag) =	ssettag s2;
	_ =	strace s9  }
0x27: {  	s1 =	sld [smem:$0x3FA0]  }
0x28: {  	s2 =	sld [smem:$0x3FA1]  }
0x29: {  	s4 =	sld [smem:$0x3FA3]  }
0x2a: {  	p0 =	seq.s32 s5, $0x0;
	s5 =	sld [smem:$0x3FA4]  }
0x2b: {  	s6 =	sld [smem:$0x3FA5]  }
0x2c: {  	s7 =	sld [smem:$0x3FA6]  }
0x2d: {  	s3 =	simm.s32 $0x108;
	s8 =	sld [smem:$0x3FA7]  }
0x2e: {  	s3 =	simm.s32 @!p0 $0x1082;
	s9 =	sld [smem:$0x3FA8]  }
0x2f: {  	lr =	sadd.s32 s0, s3;
	s0 =	sld [smem:$0x3F9F]  }
0x30: {  	s3 =	sld [smem:$0x3FA2]  }
0x31: {  	[smem:$0x3FAB] =	sst s10  }
0x32: {  	s10 =	sld [smem:$0x3FA9];
	_ =	sdelay $0x3  }
0x33: {  	p0 =	seq.s32 s10, $0x1;
	s10 =	sld [smem:$0x3FAB];
	_ =	sdelay $0x3  }
0x34: {  	[smem:$0x3FAB] =	sst s10  }
0x35: {  	s10 =	sld [smem:$0x3FAA];
	_ =	sdelay $0x3  }
0x36: {  	p1 =	seq.s32 s10, $0x1;
	s10 =	sld [smem:$0x3FAB];
	_ =	sdelay $0x3  }
0x37: {  	[smem:$0x3FAB] =	sst s10  }
0x38: {  	s10 =	sld [smem:$0x3FAC]  }
0x39: {  	_ = 	snop;
	(pc) =	sbr.ind lr, $3  }
0x3a: {  	_ = 	snop  }
0x3b: {  	_ = 	snop  }
0x3c: {  	p2 =	seq.s32 s10, $0x1;
	s10 =	sld [smem:$0x3FAB]  }
0x3d: {  	_ =	shalt  }
0x3e: {  	_ =	shalt  }
0x3f: {  	_ =	shalt  }
0x40: {  	_ =	shalt  }
0x41: {  	_ =	shalt  }
0x42: {  	_ =	shalt  }
0x43: {  	_ =	shalt  }
0x44: {  	_ =	shalt  }
0x45: {  	_ =	shalt  }
0x46: {  	_ =	shalt  }
0x47: {  	_ =	shalt  }
0x48: {  	_ =	shalt  }
0x49: {  	_ =	shalt  }
0x4a: {  	_ =	shalt  }
0x4b: {  	_ =	shalt  }
0x4c: {  	_ =	shalt  }
0x4d: {  	_ =	shalt  }
0x4e: {  	_ =	shalt  }
0x4f: {  	_ =	shalt  }
0x50: {  	_ =	shalt  }
0x51: {  	_ =	shalt  }
0x52: {  	_ =	shalt  }
0x53: {  	_ =	shalt  }
0x54: {  	_ =	shalt  }
0x55: {  	_ =	shalt  }
0x56: {  	_ =	shalt  }
0x57: {  	_ =	shalt  }
0x58: {  	_ =	shalt  }
0x59: {  	_ =	shalt  }
0x5a: {  	_ =	shalt  }
0x5b: {  	_ =	shalt  }
0x5c: {  	_ =	shalt  }
0x5d: {  	_ =	shalt  }
0x5e: {  	_ =	shalt  }
0x5f: {  	_ =	shalt  }
0x60: {  	_ =	shalt  }
0x61: {  	_ =	shalt  }
0x62: {  	_ =	shalt  }
0x63: {  	_ =	shalt  }
0x64: {  	_ =	shalt  }
0x65: {  	_ =	shalt  }
0x66: {  	_ =	shalt  }
0x67: {  	_ =	shalt  }
0x68: {  	_ =	shalt  }
0x69: {  	_ =	shalt  }
0x6a: {  	_ =	shalt  }
0x6b: {  	_ =	shalt  }
0x6c: {  	_ =	shalt  }
0x6d: {  	_ =	shalt  }
0x6e: {  	_ =	shalt  }
0x6f: {  	_ =	shalt  }
0x70: {  	_ =	shalt  }
0x71: {  	_ =	shalt  }
0x72: {  	_ =	shalt  }
0x73: {  	_ =	shalt  }
0x74: {  	_ =	shalt  }
0x75: {  	_ =	shalt  }
0x76: {  	_ =	shalt  }
0x77: {  	_ =	shalt  }
0x78: {  	_ =	shalt  }
0x79: {  	_ =	shalt  }
0x7a: {  	_ =	shalt  }
0x7b: {  	_ =	shalt  }
0x7c: {  	_ =	shalt  }
0x7d: {  	_ =	shalt  }
0x7e: {  	_ =	shalt  }
0x7f: {  	_ =	shalt  }
0x80: {  	_ =	shalt  }
0x81: {  	_ =	shalt  }
0x82: {  	_ =	shalt  }
0x83: {  	_ =	shalt  }
0x84: {  	_ =	shalt  }
0x85: {  	_ =	shalt  }
0x86: {  	_ =	shalt  }
0x87: {  	_ =	shalt  }
.Lfunc_end0:
.L_simem_size_0:
called_computation.1_lowered:
.L_overlay_start_0:
0x88: {  	s2 =	sld [smem:$0x3FD9]  }
0x89: {  	s3 =	sld [smem:$0x3FFE];
	_ =	sdelay $0x1  }
0x8a: {  	s1 =	srdreg.scid  }
0x8b: {  	s0 =	sand.u32 $0x1, s1  }
0x8c: {  	s16 =	sshll.u32 s0, $0xA;
	s2 =	sadd.s32 s3, s2  }
0x8d: {  	s2 =	sadd.s32 s2, s16  }
0x8e: {  	[smem:$0x3FB7] =	sst s2  }
0x8f: {  	_ = 	snop  }
0x90: {  	(tm) =	ssettm $0x1  }
0x91: {  	s17 =	sld [smem:$0x3FFB];
	_ =	sdelay $0x3  }
0x92: {  	_ =	strace s17  }
0x93: {  	s2 =	sld [smem:$0x3FFC];
	_ =	sdelay $0x3  }
0x94: {  	_ =	strace s2  }
0x95: {  	s2 =	sld [smem:$0x3FFD];
	_ =	sdelay $0x3  }
0x96: {  	_ =	strace s2  }
0x97: {  	_ =	strace $0x8FFFFFFF  }
0x98: {  	s18 =	sld [smem:$0x3FDB];
	_ =	sdelay $0x1  }
0x99: {  	s19 =	simm.s32 $_scs_section_size  }
0x9a: {  	s4 =	simm.s32 $_size__tile_overlayer_lowered;
	s5 =	simm.s32 $_tile_overlayer_lowered  }
0x9b: {  	s22 =	simm.s32 $0x1BFF;
	s21 =	sshll.u32 s5, $0x1;
	s2 =	sadd.s32 s19, s18  }
0x9c: {  	s6 =	simm.s32 $0x0;
	s20 =	sshll.u32 s4, $0x1;
	s4 =	sadd.s32 s21, s2  }
0x9d: {  	[timem:s6], [sflag:s22] =	dma.local [hbm:s4], s20  }
0x9e: {  	_ =	swait.ge [sflag:s22], s20  }
0x9f: {  	s3 =	ssub.s32 $0x0, s20;
	[sflag:s22] =	ssyncset.done $0x0  }
0xa0: {  	[sflag:s22] =	ssyncadd.s32 s3;
	_ =	sdelay $0x1  }
0xa1: {  	s23 =	simm.s32 $0x1B8B  }
0xa2: {  	_ =	swait.ge [sflag:s23], $0x1  }
0xa3: {  	[sflag:s23] =	ssyncset.done $0x0  }
0xa4: {  	s25 =	simm.s32 $0x1B8E;
	s24 =	sld [smem:$0x3FFE];
	[sflag:s23] =	ssyncadd.s32 $0xFFFFFFFF  }
0xa5: {  	s26 =	simm.s32 $execute0_lowered;
	[smem:$0x3FD2] =	sst s25  }
0xa6: {  	s4 =	sshll.u32 s26, $0x1;
	_ =	strace $0x80000049;
	[dreg:$0x1] =	wrdreg $0xFFFFFFFF  }
0xa7: {  	s28 =	simm.s32 $_size_execute0_lowered;
	s2 =	sadd.s32 s2, s4;
	[dreg:$0x0] =	wrdreg $0x0  }
0xa8: {  	s4 =	sshll.u32 s28, $0x1;
	[dreg:$0x2] =	wrdreg s2  }
0xa9: {  	[dreg:$0x3] =	wrdreg s4  }
0xaa: {  	[dreg:$0x4] =	wrdreg $0xC0  }
0xab: {  	_ =	task [dreg:s6], $0x5FFFF  }
0xac: {  	[dreg:$0x1] =	wrdreg $0xFFFFFFFF  }
0xad: {  	[dreg:$0x0] =	wrdreg $0x60  }
0xae: {  	[dreg:$0x2] =	wrdreg s24  }
0xaf: {  	[dreg:$0x3] =	wrdreg $0xA8000  }
0xb0: {  	[dreg:$0x4] =	wrdreg $0x9  }
0xb1: {  	_ =	task.clear_ibuf [dreg:s6], $0x5FFFF;
	_ =	strace $0x90000049  }
0xb2: {  	s29 =	simm.s32 $0x9;
	_ =	strace $0x8000004B  }
0xb3: {  	_ =	swait.ge [sflag:s29], $0x1  }
0xb4: {  	[sflag:s29] =	ssyncadd.s32 $0xFFFFFFFF  }
0xb5: {  	_ =	strace $0x9000004B  }
0xb6: {  	_ =	sfence  }
0xb7: {  	s30 =	sld [smem:$0x0];
	_ =	sdelay $0x2  }
0xb8: {  	s31 =	sshll.u32 s1, $0xD;
	s1 =	sshrl.u32 s1, $0x2  }
0xb9: {  	s3 =	sand.u32 $0x4000, s31;
	s1 =	sadd.s32 s1, s30  }
0xba: {  	s0 =	sor.u32 s3, s0;
	s1 =	sshll.u32 s1, $0x11  }
0xbb: {  	s0 =	sor.u32 s1, s0  }
0xbc: {  	s0 =	sadd.s32 $0x8F2B, s0  }
0xbd: {  	[sflag:s0] =	ssyncadd.remote.s32 $0x1  }
0xbe: {  	_ =	sfence.sel $0xFFFF  }
0xbf: {  	[dreg:$0x0] =	wrdreg $0xFFFFFFFF;
	(pc) =	sbr.abs _section_cstart, $3  }
0xc0: {  	[dreg:$0x1] =	wrdreg $0xFFFFFFFF  }
0xc1: {  	_ =	task.clear_ibuf [dreg:s6], $0x2FFFF;
	_ =	strace $0x9FFFFFFF  }
0xc2: {  	(tm) =	ssettm $0x7FFFFFFF  }
0xc3: {  	_ =	shalt  }
tec
execute0_lowered:
.L_overlay_start_1:
0x0: {  	(tag) =	ssettag $0x1  }
0x1: {  	s5 =	rddreg [dreg:$0x0]  }
0x2: {  	s2 =	rddreg [dreg:$0x1]  }
0x3: {  	s0 =	rddreg [dreg:$0x2]  }
0x4: {  	s3 =	simm.s32 $0x0;
	s1 =	stileid.u32;
	s4 =	srdreg.scid  }
0x5: {  	s16 =	simm.s32 $0x80;
	s17 =	simm.s32 $0x2800;
	s18 =	simm.s32 $0x1  }
0x6: {  	s19 =	simm.s32 $0x6800;
	s20 =	simm.s32 $0x2;
	s21 =	simm.s32 $0x1380  }
0x7: {  	s22 =	simm.s32 $0x2700;
	s23 =	simm.s32 $0x2780;
	s24 =	simm.s32 $0x0  }
0x8: {  	[smem:$0x7FF] =	sst s3;
	s6 =	smul.u32 $0x14000, s1;
	s7 =	sand.u32 $0x1, s4  }
0x9: {  	s4 =	sadd.s32 $0x40600, s5;
	s11 =	sadd.s32 $0xE600, s5;
	s26 =	smul.u32 $0x50000, s1  }
0xa: {  	s12 =	sadd.s32 $0x4600, s5;
	s14 =	smul.u32 $0x2800, s1;
	s29 =	sshll.u32 s1, $0x6  }
0xb: {  	_ =	strace $0x8000004A;
	s8 =	smul.u32 $0x140000, s7;
	s10 =	ssub.s32 $0x2, s7  }
0xc: {  	s7 =	smul.u32 $0x28000, s7;
	s9 =	sshrl.u32 s6, $0x3;
	s13 =	sshrl.u32 s10, $0x1  }
0xd: {  	s9 =	sadd.s32 s9, s5;
	s6 =	sadd.s32 s6, s8;
	s8 =	sshrl.u32 s26, $0x2  }
0xe: {  	s10 =	ssub.s32 s10, s13;
	s30 =	sadd.s32 s14, s7;
	s6 =	sshrl.u32 s6, $0x3  }
0xf: {  	s28 =	sadd.s32 s8, s2;
	s14 =	sshrl.u32 s30, $0x3;
	s8 =	smax.u32 s10, $0x1  }
0x10: {  	s15 =	sadd.s32 s6, s5;
	s5 =	sadd.s32 $0x18600, s9;
	s6 =	sor.u32 $0x1C03, s29  }
0x11: {  	s9 =	sadd.s32 s11, s14;
	s31 =	sadd.s32 $0x280, s14;
	s10 =	sadd.s32 s12, s14  }
0x12: {  	s13 =	sshrl.u32 s28, $0x3;
	s14 =	simm.s32 $0x3;
	s7 =	sadd.s32 $0x68600, s15  }
0x13: {  	s11 =	sadd.s32 s11, s31;
	s12 =	sadd.s32 s12, s31;
	s15 =	simm.s32 $0x1400  }
.LBB2_1:
0x14: {  	[spmem:s13], [sflag:s6] =	dma.local [hbm:s5], $0x2800  }
0x15: {  	_ =	swait.ge [sflag:s14], $0x2800  }
0x16: {  	[sflag:s14] =	ssyncset.done $0x0  }
0x17: {  	[sflag:s14] =	ssyncadd.s32 $0xFFFFD800  }
0x18: {  	[bflag:$0x0] =	sbarrier.arrive $0xFFFF  }
0x19: {  	[tilespmem:s3], [sflag:$0x3] =	stream.linear.gather [hbm4b:s9+s3], $0x1400, $0x38;
	[tilespmem:$0x1E800] =	vst v63  }
0x1a: {  	_ =	swait.ge [sflag:s14], $0x1400  }
0x1b: {  	[sflag:s14] =	ssyncset.done $0x0  }
0x1c: {  	[sflag:s14] =	ssyncadd.s32 $0xFFFFEC00  }
0x1d: {  	[tilespmem:s15], [sflag:$0x3] =	stream.linear.gather [hbm4b:s10+s3], $0x1400, $0x38;
	[tilespmem:$0x1E800] =	vst v63  }
0x1e: {  	_ =	swait.ge [sflag:s14], $0x1400  }
0x1f: {  	[sflag:s14] =	ssyncset.done $0x0  }
0x20: {  	[sflag:s14] =	ssyncadd.s32 $0xFFFFEC00  }
0x21: {  	[tilespmem:s17], [sflag:$0x1] =	stream.indirect.gather [hbm4b:s4+s16], $0x80, s3, s16, $0xb8;
	[tilespmem:$0x1E800] =	vst v63  }
0x22: {  	_ =	swait.ge [sflag:s18], $0x4000  }
0x23: {  	[sflag:s18] =	ssyncset.done $0x0  }
0x24: {  	s25 =	simm.s32 $0x80;
	[sflag:s18] =	ssyncadd.s32 $0xFFFFC000  }
0x25: {  	[tilespmem:s19], [sflag:$0x2] =	stream.indirect.gather [hbm4b:s4+s16], $0x80, s25, s16, $0xb8;
	[tilespmem:$0x1E800] =	vst v63  }
0x26: {  	s29 =	simm.s32 $0x1400  }
0x27: {  	[spmem:s2] =	stream.indirect.scatter.add.f32 [tilespmem:s17], [sflag:$0x3], $0x80, s29, s16, $0xb8;
	[tilespmem:$0x1E800] =	vst v63  }
0x28: {  	_ =	swait.ge [sflag:s14], $0x4000  }
0x29: {  	[sflag:s14] =	ssyncset.done $0x0  }
0x2a: {  	[sflag:s14] =	ssyncadd.s32 $0xFFFFC000  }
0x2b: {  	_ =	swait.ge [sflag:s20], $0x4000  }
0x2c: {  	[sflag:s20] =	ssyncset.done $0x0  }
0x2d: {  	s30 =	simm.s32 $0x100;
	[sflag:s20] =	ssyncadd.s32 $0xFFFFC000  }
0x2e: {  	[tilespmem:s17], [sflag:$0x1] =	stream.indirect.gather [hbm4b:s4+s16], $0x80, s30, s16, $0xb8;
	[tilespmem:$0x1E800] =	vst v63  }
0x2f: {  	s31 =	simm.s32 $0x1480  }
0x30: {  	[spmem:s2] =	stream.indirect.scatter.add.f32 [tilespmem:s19], [sflag:$0x3], $0x80, s31, s16, $0xb8;
	[tilespmem:$0x1E800] =	vst v63  }
0x31: {  	_ =	swait.ge [sflag:s14], $0x4000  }
0x32: {  	s25 =	simm.s32 $0x400;
	[sflag:s14] =	ssyncset.done $0x0  }
.LBB2_2:
0x33: {  	p0 =	sne.s32 s25, $0x4800  }
0x34: {  	[sflag:s14] =	ssyncadd.s32 $0xFFFFC000;
	s26 =	smov.u32 s25;
	s25 =	sadd.s32 $0x400, s25  }
0x35: {  	_ = 	snop  }
0x36: {  	_ =	swait.ge [sflag:s18], $0x4000  }
0x37: {  	s26 =	sshra.s32 s26, $0x2;
	[sflag:s18] =	ssyncset.done $0x0  }
0x38: {  	s28 =	sadd.s32 $0x80, s26;
	[sflag:s18] =	ssyncadd.s32 $0xFFFFC000  }
0x39: {  	[tilespmem:s19], [sflag:$0x2] =	stream.indirect.gather [hbm4b:s4+s16], $0x80, s28, s16, $0xb8;
	[tilespmem:$0x1E800] =	vst v63  }
0x3a: {  	s28 =	sadd.s32 $0x1400, s26  }
0x3b: {  	[spmem:s2] =	stream.indirect.scatter.add.f32 [tilespmem:s17], [sflag:$0x3], $0x80, s28, s16, $0xb8;
	[tilespmem:$0x1E800] =	vst v63  }
0x3c: {  	_ =	swait.ge [sflag:s14], $0x4000  }
0x3d: {  	[sflag:s14] =	ssyncset.done $0x0  }
0x3e: {  	[sflag:s14] =	ssyncadd.s32 $0xFFFFC000  }
0x3f: {  	_ =	swait.ge [sflag:s20], $0x4000  }
0x40: {  	[sflag:s20] =	ssyncset.done $0x0  }
0x41: {  	s28 =	sadd.s32 $0x100, s26;
	[sflag:s20] =	ssyncadd.s32 $0xFFFFC000  }
0x42: {  	[tilespmem:s17], [sflag:$0x1] =	stream.indirect.gather [hbm4b:s4+s16], $0x80, s28, s16, $0xb8;
	[tilespmem:$0x1E800] =	vst v63  }
.Ltmp0:
0x43: {  	_ = 	snop;
	(pc) =	sbr.rel @p0 .LBB2_2-.Ltmp0, $4  }
0x44: {  	s26 =	sadd.s32 $0x1480, s26  }
0x45: {  	[spmem:s2] =	stream.indirect.scatter.add.f32 [tilespmem:s19], [sflag:$0x3], $0x80, s26, s16, $0xb8;
	[tilespmem:$0x1E800] =	vst v63  }
0x46: {  	_ =	swait.ge [sflag:s14], $0x4000  }
0x47: {  	[sflag:s14] =	ssyncset.done $0x0  }
0x48: {  	[sflag:s14] =	ssyncadd.s32 $0xFFFFC000  }
0x49: {  	_ =	swait.ge [sflag:s18], $0x4000  }
0x4a: {  	[sflag:s18] =	ssyncset.done $0x0  }
0x4b: {  	[sflag:s18] =	ssyncadd.s32 $0xFFFFC000  }
0x4c: {  	[tilespmem:s19], [sflag:$0x2] =	stream.indirect.gather [hbm4b:s4+s16], $0x80, s21, s16, $0xb8;
	[tilespmem:$0x1E800] =	vst v63  }
0x4d: {  	_ = 	snop  }
0x4e: {  	[spmem:s2] =	stream.indirect.scatter.add.f32 [tilespmem:s17], [sflag:$0x3], $0x80, s22, s16, $0xb8;
	[tilespmem:$0x1E800] =	vst v63  }
0x4f: {  	_ =	swait.ge [sflag:s14], $0x4000  }
0x50: {  	[sflag:s14] =	ssyncset.done $0x0  }
0x51: {  	[sflag:s14] =	ssyncadd.s32 $0xFFFFC000  }
0x52: {  	_ =	swait.ge [sflag:s20], $0x4000  }
0x53: {  	[sflag:s20] =	ssyncset.done $0x0  }
0x54: {  	[sflag:s20] =	ssyncadd.s32 $0xFFFFC000  }
0x55: {  	[spmem:s2] =	stream.indirect.scatter.add.f32 [tilespmem:s19], [sflag:$0x3], $0x80, s23, s16, $0xb8;
	[tilespmem:$0x1E800] =	vst v63  }
0x56: {  	_ =	swait.ge [sflag:s14], $0x4000  }
0x57: {  	[sflag:s14] =	ssyncset.done $0x0  }
0x58: {  	s25 =	simm.s32 $0x0;
	[sflag:s14] =	ssyncadd.s32 $0xFFFFC000  }
0x59: {  	[tilespmem:s25], [sflag:$0x3] =	stream.linear.gather [hbm4b:s11+s25], $0x1400, $0x38;
	[tilespmem:$0x1E800] =	vst v63  }
0x5a: {  	_ =	swait.ge [sflag:s14], $0x1400  }
0x5b: {  	[sflag:s14] =	ssyncset.done $0x0  }
0x5c: {  	[sflag:s14] =	ssyncadd.s32 $0xFFFFEC00  }
0x5d: {  	[tilespmem:s15], [sflag:$0x3] =	stream.linear.gather [hbm4b:s12+s25], $0x1400, $0x38;
	[tilespmem:$0x1E800] =	vst v63  }
0x5e: {  	_ =	swait.ge [sflag:s14], $0x1400  }
0x5f: {  	[sflag:s14] =	ssyncset.done $0x0  }
0x60: {  	[sflag:s14] =	ssyncadd.s32 $0xFFFFEC00  }
0x61: {  	[tilespmem:s17], [sflag:$0x1] =	stream.indirect.gather [hbm4b:s4+s16], $0x80, s25, s16, $0xb8;
	[tilespmem:$0x1E800] =	vst v63  }
0x62: {  	_ =	swait.ge [sflag:s18], $0x4000  }
0x63: {  	[sflag:s18] =	ssyncset.done $0x0  }
0x64: {  	s28 =	simm.s32 $0x80;
	[sflag:s18] =	ssyncadd.s32 $0xFFFFC000  }
0x65: {  	[tilespmem:s19], [sflag:$0x2] =	stream.indirect.gather [hbm4b:s4+s16], $0x80, s28, s16, $0xb8;
	[tilespmem:$0x1E800] =	vst v63  }
0x66: {  	s29 =	simm.s32 $0x1400  }
0x67: {  	[spmem:s2] =	stream.indirect.scatter.add.f32 [tilespmem:s17], [sflag:$0x3], $0x80, s29, s16, $0xb8;
	[tilespmem:$0x1E800] =	vst v63  }
0x68: {  	_ =	swait.ge [sflag:s14], $0x4000  }
0x69: {  	[sflag:s14] =	ssyncset.done $0x0  }
0x6a: {  	[sflag:s14] =	ssyncadd.s32 $0xFFFFC000  }
0x6b: {  	_ =	swait.ge [sflag:s20], $0x4000  }
0x6c: {  	[sflag:s20] =	ssyncset.done $0x0  }
0x6d: {  	s30 =	simm.s32 $0x100;
	[sflag:s20] =	ssyncadd.s32 $0xFFFFC000  }
0x6e: {  	[tilespmem:s17], [sflag:$0x1] =	stream.indirect.gather [hbm4b:s4+s16], $0x80, s30, s16, $0xb8;
	[tilespmem:$0x1E800] =	vst v63  }
0x6f: {  	s31 =	simm.s32 $0x1480  }
0x70: {  	[spmem:s2] =	stream.indirect.scatter.add.f32 [tilespmem:s19], [sflag:$0x3], $0x80, s31, s16, $0xb8;
	[tilespmem:$0x1E800] =	vst v63  }
0x71: {  	_ =	swait.ge [sflag:s14], $0x4000  }
0x72: {  	s25 =	simm.s32 $0x400;
	[sflag:s14] =	ssyncset.done $0x0  }
.LBB2_4:
0x73: {  	p0 =	sne.s32 s25, $0x4800  }
0x74: {  	[sflag:s14] =	ssyncadd.s32 $0xFFFFC000;
	s26 =	smov.u32 s25;
	s25 =	sadd.s32 $0x400, s25  }
0x75: {  	_ = 	snop  }
0x76: {  	_ =	swait.ge [sflag:s18], $0x4000  }
0x77: {  	s26 =	sshra.s32 s26, $0x2;
	[sflag:s18] =	ssyncset.done $0x0  }
0x78: {  	s28 =	sadd.s32 $0x80, s26;
	[sflag:s18] =	ssyncadd.s32 $0xFFFFC000  }
0x79: {  	[tilespmem:s19], [sflag:$0x2] =	stream.indirect.gather [hbm4b:s4+s16], $0x80, s28, s16, $0xb8;
	[tilespmem:$0x1E800] =	vst v63  }
0x7a: {  	s28 =	sadd.s32 $0x1400, s26  }
0x7b: {  	[spmem:s2] =	stream.indirect.scatter.add.f32 [tilespmem:s17], [sflag:$0x3], $0x80, s28, s16, $0xb8;
	[tilespmem:$0x1E800] =	vst v63  }
0x7c: {  	_ =	swait.ge [sflag:s14], $0x4000  }
0x7d: {  	[sflag:s14] =	ssyncset.done $0x0  }
0x7e: {  	[sflag:s14] =	ssyncadd.s32 $0xFFFFC000  }
0x7f: {  	_ =	swait.ge [sflag:s20], $0x4000  }
0x80: {  	[sflag:s20] =	ssyncset.done $0x0  }
0x81: {  	s28 =	sadd.s32 $0x100, s26;
	[sflag:s20] =	ssyncadd.s32 $0xFFFFC000  }
0x82: {  	[tilespmem:s17], [sflag:$0x1] =	stream.indirect.gather [hbm4b:s4+s16], $0x80, s28, s16, $0xb8;
	[tilespmem:$0x1E800] =	vst v63  }
.Ltmp1:
0x83: {  	_ = 	snop;
	(pc) =	sbr.rel @p0 .LBB2_4-.Ltmp1, $4  }
0x84: {  	s26 =	sadd.s32 $0x1480, s26  }
0x85: {  	[spmem:s2] =	stream.indirect.scatter.add.f32 [tilespmem:s19], [sflag:$0x3], $0x80, s26, s16, $0xb8;
	[tilespmem:$0x1E800] =	vst v63  }
0x86: {  	_ =	swait.ge [sflag:s14], $0x4000  }
0x87: {  	[sflag:s14] =	ssyncset.done $0x0  }
0x88: {  	[sflag:s14] =	ssyncadd.s32 $0xFFFFC000  }
0x89: {  	_ =	swait.ge [sflag:s18], $0x4000  }
0x8a: {  	[sflag:s18] =	ssyncset.done $0x0  }
0x8b: {  	[sflag:s18] =	ssyncadd.s32 $0xFFFFC000  }
0x8c: {  	[tilespmem:s19], [sflag:$0x2] =	stream.indirect.gather [hbm4b:s4+s16], $0x80, s21, s16, $0xb8;
	[tilespmem:$0x1E800] =	vst v63  }
0x8d: {  	_ = 	snop  }
0x8e: {  	[spmem:s2] =	stream.indirect.scatter.add.f32 [tilespmem:s17], [sflag:$0x3], $0x80, s22, s16, $0xb8;
	[tilespmem:$0x1E800] =	vst v63  }
0x8f: {  	_ =	swait.ge [sflag:s14], $0x4000  }
0x90: {  	[sflag:s14] =	ssyncset.done $0x0  }
0x91: {  	[sflag:s14] =	ssyncadd.s32 $0xFFFFC000  }
0x92: {  	_ =	swait.ge [sflag:s20], $0x4000  }
0x93: {  	[sflag:s20] =	ssyncset.done $0x0  }
0x94: {  	[sflag:s20] =	ssyncadd.s32 $0xFFFFC000  }
0x95: {  	[spmem:s2] =	stream.indirect.scatter.add.f32 [tilespmem:s19], [sflag:$0x3], $0x80, s23, s16, $0xb8;
	[tilespmem:$0x1E800] =	vst v63  }
0x96: {  	_ =	swait.ge [sflag:s14], $0x4000  }
0x97: {  	s24 =	sadd.s32 $0x1, s24;
	[sflag:s14] =	ssyncset.done $0x0  }
0x98: {  	p0 =	sne.s32 s24, s8;
	[sflag:s14] =	ssyncadd.s32 $0xFFFFC000  }
.Ltmp2:
0x99: {  	[bflag:$0x0] =	sbarrier.arrive $0xFFFF;
	(pc) =	sbr.rel @p0 .LBB2_1-.Ltmp2, $4  }
0x9a: {  	[hbm:s7], [sflag:s6] =	dma.local [spmem:s13], $0x2800  }
0x9b: {  	_ =	swait.ge [sflag:s14], $0x2800  }
0x9c: {  	[sflag:s14] =	ssyncset.done $0x0  }
0x9d: {  	[sflag:s14] =	ssyncadd.s32 $0xFFFFD800  }
0x9e: {  	_ =	sfence.sel $0x180000  }
0x9f: {  	[bflag:$0x0] =	sbarrier.arrive $0xFFFF  }
0xa0: {  	p0 =	sne.s32 s1, $0x0;
	_ =	strace $0x9000004A  }
0xa1: {  	s0 =	sadd.s32 @!p0 $0x100000, s0;
	[bflag:$0x2] =	sbarrier.arrive $0xFFFF  }
0xa2: {  	[sflag:s0] =	ssyncadd.tile.s32 @!p0 $0x1;
	_ =	shalt  }
.Lfunc_end2:
_tile_overlayer_lowered:
.L_overlay_start_2:
0xa3: {  	(tag) =	ssettag $0x2  }
0xa4: {  	s0 =	rddreg [dreg:$0x0];
	s2 =	stileid.u32  }
0xa5: {  	s1 =	rddreg [dreg:$0x1];
	p0 =	sne.s32 s2, $0x0  }
0xa6: {  	s3 =	rddreg [dreg:$0x2];
	[bflag:$0x3] =	sbarrier.arrive $0xFFFF;
	s2 =	simm.s32 @!p0 $0x1C03  }
0xa7: {  	[timem:s3], [sflag:s2] =	dma.local @!p0 [hbm:s0], s1  }
0xa8: {  	s0 =	simm.s32 @!p0 $0x3  }
0xa9: {  	_ =	swait.ge @!p0 [sflag:s0], s1  }
0xaa: {  	s1 =	ssub.s32 @!p0 $0x0, s1;
	[sflag:s0] =	ssyncset.done @!p0 $0x0  }
0xab: {  	[sflag:s0] =	ssyncadd.s32 @!p0 s1  }
0xac: {  	[bflag:$0x3] =	sbarrier.arrive $0xFFFF  }
0xad: {  	_ =	shalt  }

// kernel: kernel.16.cloned.1.call-start
scs
__scs_entry_jumppad:
0x0: {  	(pc) =	sbr.rel $0x88, $3  }
0x1: {  	(tag) =	ssettag $0x0;
	lr =	simm.s32 $0x1  }
0x2: {  	[smem:$0x3F90] =	sst lr;
	_ =	strace $0xD0000000  }
0x3: {  	_ = 	snop  }
0x4: {  	_ = 	snop  }
0x5: {  	_ = 	snop  }
0x6: {  	_ = 	snop  }
0x7: {  	_ = 	snop  }
__scs_overlays_trampoline_lowered:
0x8: {  	[smem:$0x3F9F] =	sst s0  }
0x9: {  	[smem:$0x3FA0] =	sst s1  }
0xa: {  	[smem:$0x3FA1] =	sst s2  }
0xb: {  	[smem:$0x3FA2] =	sst s3  }
0xc: {  	[smem:$0x3FA3] =	sst s4  }
0xd: {  	[smem:$0x3FA4] =	sst s5  }
0xe: {  	[smem:$0x3FA5] =	sst s6  }
0xf: {  	[smem:$0x3FA6] =	sst s7  }
0x10: {  	[smem:$0x3FA7] =	sst s8  }
0x11: {  	[smem:$0x3FA8] =	sst s9;
	s0 =	simm.s32 @!p0 $0x0  }
0x12: {  	s1 =	sld [smem:$0x3F8E];
	s0 =	simm.s32 @p0 $0x1  }
0x13: {  	[smem:$0x3FA9] =	sst s0;
	s0 =	simm.s32 @!p1 $0x0  }
0x14: {  	s2 =	sld [smem:$0x3F8D];
	s0 =	simm.s32 @p1 $0x1  }
0x15: {  	[smem:$0x3FAA] =	sst s0;
	s0 =	simm.s32 @!p2 $0x0  }
0x16: {  	s3 =	sld [smem:$0x3FDB];
	s0 =	simm.s32 @p2 $0x1  }
0x17: {  	s4 =	simm.s32 $0x1BF5;
	[smem:$0x3FAC] =	sst s0  }
0x18: {  	s0 =	sld [smem:$0x3F8F];
	_ =	swait.ge [sflag:s4], $0x0  }
0x19: {  	s7 =	sld [smem:$0x3F90]  }
0x1a: {  	s8 =	sadd.s32 $0xFFFFE003, lr  }
0x1b: {  	s9 =	sadd.s32 $0xFFFFFEF7, lr;
	s5 =	simm.s32 $0xFFFFFFFF;
	p2 =	slt.u32 s8, $0xFFFFF086  }
0x1c: {  	p1 =	slt.u32 s9, $0xF7A;
	s5 =	simm.s32 @!p2 $0x0  }
0x1d: {  	s5 =	simm.s32 @p1 $0x1;
	p0 =	seq.s32 s7, s2  }
0x1e: {  	s7 =	smul.u32 @!p0 $0xF7A, s2;
	p2 =	seq.s32 @!p0 s5, $0x0  }
0x1f: {  	s9 =	smul.u32 $0xF7A, s1;
	s8 =	simm.s32 @!p0 $0x1BF5;
	p2 =	por !p2, p0  }
0x20: {  	[sflag:s8] =	ssyncset.s32 @!p0 $0xFFFFF086;
	s6 =	sadd.s32 @!p0 s3, s7;
	s7 =	simm.s32 @!p0 $0x108  }
0x21: {  	s3 =	sadd.s32 s3, s9;
	s6 =	sadd.s32 @!p0 $0x88, s6;
	s7 =	simm.s32 @p2 $0x1082  }
0x22: {  	[simem:s7], [sflag:s8] =	dma.local @!p0 [hbm:s6], $0xF7A  }
0x23: {  	s9 =	sor.u32 $0xD0000000, s2;
	s6 =	simm.s32 $0x108;
	_ =	swait.ge @!p0 [sflag:s8], $0x0  }
0x24: {  	s3 =	sadd.s32 $0x88, s3;
	s6 =	simm.s32 @!p1 $0x1082;
	[sflag:s4] =	ssyncset.s32 $0xFFFFF086  }
0x25: {  	[simem:s6], [sflag:s4] =	dma.local [hbm:s3], $0xF7A  }
0x26: {  	[smem:$0x3F90] =	sst s1;
	(tag) =	ssettag s2;
	_ =	strace s9  }
0x27: {  	s1 =	sld [smem:$0x3FA0]  }
0x28: {  	s2 =	sld [smem:$0x3FA1]  }
0x29: {  	s4 =	sld [smem:$0x3FA3]  }
0x2a: {  	p0 =	seq.s32 s5, $0x0;
	s5 =	sld [smem:$0x3FA4]  }
0x2b: {  	s6 =	sld [smem:$0x3FA5]  }
0x2c: {  	s7 =	sld [smem:$0x3FA6]  }
0x2d: {  	s3 =	simm.s32 $0x108;
	s8 =	sld [smem:$0x3FA7]  }
0x2e: {  	s3 =	simm.s32 @!p0 $0x1082;
	s9 =	sld [smem:$0x3FA8]  }
0x2f: {  	lr =	sadd.s32 s0, s3;
	s0 =	sld [smem:$0x3F9F]  }
0x30: {  	s3 =	sld [smem:$0x3FA2]  }
0x31: {  	[smem:$0x3FAB] =	sst s10  }
0x32: {  	s10 =	sld [smem:$0x3FA9];
	_ =	sdelay $0x3  }
0x33: {  	p0 =	seq.s32 s10, $0x1;
	s10 =	sld [smem:$0x3FAB];
	_ =	sdelay $0x3  }
0x34: {  	[smem:$0x3FAB] =	sst s10  }
0x35: {  	s10 =	sld [smem:$0x3FAA];
	_ =	sdelay $0x3  }
0x36: {  	p1 =	seq.s32 s10, $0x1;
	s10 =	sld [smem:$0x3FAB];
	_ =	sdelay $0x3  }
0x37: {  	[smem:$0x3FAB] =	sst s10  }
0x38: {  	s10 =	sld [smem:$0x3FAC]  }
0x39: {  	_ = 	snop;
	(pc) =	sbr.ind lr, $3  }
0x3a: {  	_ = 	snop  }
0x3b: {  	_ = 	snop  }
0x3c: {  	p2 =	seq.s32 s10, $0x1;
	s10 =	sld [smem:$0x3FAB]  }
0x3d: {  	_ =	shalt  }
0x3e: {  	_ =	shalt  }
0x3f: {  	_ =	shalt  }
0x40: {  	_ =	shalt  }
0x41: {  	_ =	shalt  }
0x42: {  	_ =	shalt  }
0x43: {  	_ =	shalt  }
0x44: {  	_ =	shalt  }
0x45: {  	_ =	shalt  }
0x46: {  	_ =	shalt  }
0x47: {  	_ =	shalt  }
0x48: {  	_ =	shalt  }
0x49: {  	_ =	shalt  }
0x4a: {  	_ =	shalt  }
0x4b: {  	_ =	shalt  }
0x4c: {  	_ =	shalt  }
0x4d: {  	_ =	shalt  }
0x4e: {  	_ =	shalt  }
0x4f: {  	_ =	shalt  }
0x50: {  	_ =	shalt  }
0x51: {  	_ =	shalt  }
0x52: {  	_ =	shalt  }
0x53: {  	_ =	shalt  }
0x54: {  	_ =	shalt  }
0x55: {  	_ =	shalt  }
0x56: {  	_ =	shalt  }
0x57: {  	_ =	shalt  }
0x58: {  	_ =	shalt  }
0x59: {  	_ =	shalt  }
0x5a: {  	_ =	shalt  }
0x5b: {  	_ =	shalt  }
0x5c: {  	_ =	shalt  }
0x5d: {  	_ =	shalt  }
0x5e: {  	_ =	shalt  }
0x5f: {  	_ =	shalt  }
0x60: {  	_ =	shalt  }
0x61: {  	_ =	shalt  }
0x62: {  	_ =	shalt  }
0x63: {  	_ =	shalt  }
0x64: {  	_ =	shalt  }
0x65: {  	_ =	shalt  }
0x66: {  	_ =	shalt  }
0x67: {  	_ =	shalt  }
0x68: {  	_ =	shalt  }
0x69: {  	_ =	shalt  }
0x6a: {  	_ =	shalt  }
0x6b: {  	_ =	shalt  }
0x6c: {  	_ =	shalt  }
0x6d: {  	_ =	shalt  }
0x6e: {  	_ =	shalt  }
0x6f: {  	_ =	shalt  }
0x70: {  	_ =	shalt  }
0x71: {  	_ =	shalt  }
0x72: {  	_ =	shalt  }
0x73: {  	_ =	shalt  }
0x74: {  	_ =	shalt  }
0x75: {  	_ =	shalt  }
0x76: {  	_ =	shalt  }
0x77: {  	_ =	shalt  }
0x78: {  	_ =	shalt  }
0x79: {  	_ =	shalt  }
0x7a: {  	_ =	shalt  }
0x7b: {  	_ =	shalt  }
0x7c: {  	_ =	shalt  }
0x7d: {  	_ =	shalt  }
0x7e: {  	_ =	shalt  }
0x7f: {  	_ =	shalt  }
0x80: {  	_ =	shalt  }
0x81: {  	_ =	shalt  }
0x82: {  	_ =	shalt  }
0x83: {  	_ =	shalt  }
0x84: {  	_ =	shalt  }
0x85: {  	_ =	shalt  }
0x86: {  	_ =	shalt  }
0x87: {  	_ =	shalt  }
.Lfunc_end0:
.L_simem_size_0:
called_computation.2_lowered:
.L_overlay_start_0:
0x88: {  	s2 =	sld [smem:$0x3FD9]  }
0x89: {  	s3 =	sld [smem:$0x3FFE];
	_ =	sdelay $0x1  }
0x8a: {  	s1 =	srdreg.scid  }
0x8b: {  	s0 =	sand.u32 $0x1, s1  }
0x8c: {  	s16 =	sshll.u32 s0, $0xA;
	s2 =	sadd.s32 s3, s2  }
0x8d: {  	s2 =	sadd.s32 s2, s16  }
0x8e: {  	[smem:$0x3FB7] =	sst s2  }
0x8f: {  	_ = 	snop  }
0x90: {  	(tm) =	ssettm $0x1  }
0x91: {  	s17 =	sld [smem:$0x3FFB];
	_ =	sdelay $0x3  }
0x92: {  	_ =	strace s17  }
0x93: {  	s2 =	sld [smem:$0x3FFC];
	_ =	sdelay $0x3  }
0x94: {  	_ =	strace s2  }
0x95: {  	s2 =	sld [smem:$0x3FFD];
	_ =	sdelay $0x3  }
0x96: {  	_ =	strace s2  }
0x97: {  	_ =	strace $0x8FFFFFFF  }
0x98: {  	s18 =	sld [smem:$0x3FDB];
	_ =	sdelay $0x1  }
0x99: {  	s19 =	simm.s32 $_scs_section_size  }
0x9a: {  	s4 =	simm.s32 $_size__tile_overlayer_lowered;
	s5 =	simm.s32 $_tile_overlayer_lowered  }
0x9b: {  	s22 =	simm.s32 $0x1BFF;
	s21 =	sshll.u32 s5, $0x1;
	s2 =	sadd.s32 s19, s18  }
0x9c: {  	s6 =	simm.s32 $0x0;
	s20 =	sshll.u32 s4, $0x1;
	s4 =	sadd.s32 s21, s2  }
0x9d: {  	[timem:s6], [sflag:s22] =	dma.local [hbm:s4], s20  }
0x9e: {  	_ =	swait.ge [sflag:s22], s20  }
0x9f: {  	s3 =	ssub.s32 $0x0, s20;
	[sflag:s22] =	ssyncset.done $0x0  }
0xa0: {  	[sflag:s22] =	ssyncadd.s32 s3;
	_ =	sdelay $0x1  }
0xa1: {  	s23 =	simm.s32 $0x1B8B  }
0xa2: {  	_ =	swait.ge [sflag:s23], $0x1  }
0xa3: {  	[sflag:s23] =	ssyncset.done $0x0  }
0xa4: {  	s25 =	simm.s32 $0x1B8E;
	s24 =	sld [smem:$0x3FFE];
	[sflag:s23] =	ssyncadd.s32 $0xFFFFFFFF  }
0xa5: {  	s26 =	simm.s32 $execute0_lowered;
	[smem:$0x3FD2] =	sst s25  }
0xa6: {  	s4 =	sshll.u32 s26, $0x1;
	_ =	strace $0x8000004C;
	[dreg:$0x1] =	wrdreg $0xFFFFFFFF  }
0xa7: {  	s28 =	simm.s32 $_size_execute0_lowered;
	s2 =	sadd.s32 s2, s4;
	[dreg:$0x0] =	wrdreg $0x0  }
0xa8: {  	s4 =	sshll.u32 s28, $0x1;
	[dreg:$0x2] =	wrdreg s2  }
0xa9: {  	[dreg:$0x3] =	wrdreg s4  }
0xaa: {  	[dreg:$0x4] =	wrdreg $0xC0  }
0xab: {  	_ =	task [dreg:s6], $0x5FFFF  }
0xac: {  	[dreg:$0x1] =	wrdreg $0xFFFFFFFF  }
0xad: {  	[dreg:$0x0] =	wrdreg $0x60  }
0xae: {  	[dreg:$0x2] =	wrdreg s24  }
0xaf: {  	[dreg:$0x3] =	wrdreg $0xA8000  }
0xb0: {  	[dreg:$0x4] =	wrdreg $0x9  }
0xb1: {  	_ =	task.clear_ibuf [dreg:s6], $0x5FFFF;
	_ =	strace $0x9000004C  }
0xb2: {  	s29 =	simm.s32 $0x9;
	_ =	strace $0x8000004E  }
0xb3: {  	_ =	swait.ge [sflag:s29], $0x1  }
0xb4: {  	[sflag:s29] =	ssyncadd.s32 $0xFFFFFFFF  }
0xb5: {  	_ =	strace $0x9000004E  }
0xb6: {  	_ =	sfence  }
0xb7: {  	s30 =	sld [smem:$0x0];
	_ =	sdelay $0x2  }
0xb8: {  	s31 =	sshll.u32 s1, $0xD;
	s1 =	sshrl.u32 s1, $0x2  }
0xb9: {  	s3 =	sand.u32 $0x4000, s31;
	s1 =	sadd.s32 s1, s30  }
0xba: {  	s0 =	sor.u32 s3, s0;
	s1 =	sshll.u32 s1, $0x11  }
0xbb: {  	s0 =	sor.u32 s1, s0  }
0xbc: {  	s0 =	sadd.s32 $0x8F2B, s0  }
0xbd: {  	[sflag:s0] =	ssyncadd.remote.s32 $0x1  }
0xbe: {  	_ =	sfence.sel $0xFFFF  }
0xbf: {  	[dreg:$0x0] =	wrdreg $0xFFFFFFFF;
	(pc) =	sbr.abs _section_cstart, $3  }
0xc0: {  	[dreg:$0x1] =	wrdreg $0xFFFFFFFF  }
0xc1: {  	_ =	task.clear_ibuf [dreg:s6], $0x2FFFF;
	_ =	strace $0x9FFFFFFF  }
0xc2: {  	(tm) =	ssettm $0x7FFFFFFF  }
0xc3: {  	_ =	shalt  }
tec
execute0_lowered:
.L_overlay_start_1:
0x0: {  	(tag) =	ssettag $0x1  }
0x1: {  	s5 =	rddreg [dreg:$0x0]  }
0x2: {  	s2 =	rddreg [dreg:$0x1]  }
0x3: {  	s0 =	rddreg [dreg:$0x2]  }
0x4: {  	s3 =	simm.s32 $0x0;
	s1 =	stileid.u32;
	s4 =	srdreg.scid  }
0x5: {  	s16 =	simm.s32 $0x80;
	s17 =	simm.s32 $0x2800;
	s18 =	simm.s32 $0x1  }
0x6: {  	s19 =	simm.s32 $0x6800;
	s20 =	simm.s32 $0x2;
	s21 =	simm.s32 $0x1380  }
0x7: {  	s22 =	simm.s32 $0x2700;
	s23 =	simm.s32 $0x2780;
	s24 =	simm.s32 $0x0  }
0x8: {  	[smem:$0x7FF] =	sst s3;
	s6 =	smul.u32 $0x14000, s1;
	s7 =	sand.u32 $0x1, s4  }
0x9: {  	s4 =	sadd.s32 $0x40600, s5;
	s11 =	sadd.s32 $0xE600, s5;
	s26 =	smul.u32 $0x50000, s1  }
0xa: {  	s12 =	sadd.s32 $0x4600, s5;
	s14 =	smul.u32 $0x2800, s1;
	s29 =	sshll.u32 s1, $0x6  }
0xb: {  	_ =	strace $0x8000004D;
	s8 =	smul.u32 $0x140000, s7;
	s10 =	ssub.s32 $0x2, s7  }
0xc: {  	s7 =	smul.u32 $0x28000, s7;
	s9 =	sshrl.u32 s6, $0x3;
	s13 =	sshrl.u32 s10, $0x1  }
0xd: {  	s9 =	sadd.s32 s9, s5;
	s6 =	sadd.s32 s6, s8;
	s8 =	sshrl.u32 s26, $0x2  }
0xe: {  	s10 =	ssub.s32 s10, s13;
	s30 =	sadd.s32 s14, s7;
	s6 =	sshrl.u32 s6, $0x3  }
0xf: {  	s28 =	sadd.s32 s8, s2;
	s14 =	sshrl.u32 s30, $0x3;
	s8 =	smax.u32 s10, $0x1  }
0x10: {  	s15 =	sadd.s32 s6, s5;
	s5 =	sadd.s32 $0x18600, s9;
	s6 =	sor.u32 $0x1C03, s29  }
0x11: {  	s9 =	sadd.s32 s11, s14;
	s31 =	sadd.s32 $0x280, s14;
	s10 =	sadd.s32 s12, s14  }
0x12: {  	s13 =	sshrl.u32 s28, $0x3;
	s14 =	simm.s32 $0x3;
	s7 =	sadd.s32 $0x68600, s15  }
0x13: {  	s11 =	sadd.s32 s11, s31;
	s12 =	sadd.s32 s12, s31;
	s15 =	simm.s32 $0x1400  }
.LBB2_1:
0x14: {  	[spmem:s13], [sflag:s6] =	dma.local [hbm:s5], $0x2800  }
0x15: {  	_ =	swait.ge [sflag:s14], $0x2800  }
0x16: {  	[sflag:s14] =	ssyncset.done $0x0  }
0x17: {  	[sflag:s14] =	ssyncadd.s32 $0xFFFFD800  }
0x18: {  	[bflag:$0x0] =	sbarrier.arrive $0xFFFF  }
0x19: {  	[tilespmem:s3], [sflag:$0x3] =	stream.linear.gather [hbm4b:s9+s3], $0x1400, $0x38;
	[tilespmem:$0x1E800] =	vst v63  }
0x1a: {  	_ =	swait.ge [sflag:s14], $0x1400  }
0x1b: {  	[sflag:s14] =	ssyncset.done $0x0  }
0x1c: {  	[sflag:s14] =	ssyncadd.s32 $0xFFFFEC00  }
0x1d: {  	[tilespmem:s15], [sflag:$0x3] =	stream.linear.gather [hbm4b:s10+s3], $0x1400, $0x38;
	[tilespmem:$0x1E800] =	vst v63  }
0x1e: {  	_ =	swait.ge [sflag:s14], $0x1400  }
0x1f: {  	[sflag:s14] =	ssyncset.done $0x0  }
0x20: {  	[sflag:s14] =	ssyncadd.s32 $0xFFFFEC00  }
0x21: {  	[tilespmem:s17], [sflag:$0x1] =	stream.indirect.gather [hbm4b:s4+s16], $0x80, s3, s16, $0xb8;
	[tilespmem:$0x1E800] =	vst v63  }
0x22: {  	_ =	swait.ge [sflag:s18], $0x4000  }
0x23: {  	[sflag:s18] =	ssyncset.done $0x0  }
0x24: {  	s25 =	simm.s32 $0x80;
	[sflag:s18] =	ssyncadd.s32 $0xFFFFC000  }
0x25: {  	[tilespmem:s19], [sflag:$0x2] =	stream.indirect.gather [hbm4b:s4+s16], $0x80, s25, s16, $0xb8;
	[tilespmem:$0x1E800] =	vst v63  }
0x26: {  	s29 =	simm.s32 $0x1400  }
0x27: {  	[spmem:s2] =	stream.indirect.scatter.add.f32 [tilespmem:s17], [sflag:$0x3], $0x80, s29, s16, $0xb8;
	[tilespmem:$0x1E800] =	vst v63  }
0x28: {  	_ =	swait.ge [sflag:s14], $0x4000  }
0x29: {  	[sflag:s14] =	ssyncset.done $0x0  }
0x2a: {  	[sflag:s14] =	ssyncadd.s32 $0xFFFFC000  }
0x2b: {  	_ =	swait.ge [sflag:s20], $0x4000  }
0x2c: {  	[sflag:s20] =	ssyncset.done $0x0  }
0x2d: {  	s30 =	simm.s32 $0x100;
	[sflag:s20] =	ssyncadd.s32 $0xFFFFC000  }
0x2e: {  	[tilespmem:s17], [sflag:$0x1] =	stream.indirect.gather [hbm4b:s4+s16], $0x80, s30, s16, $0xb8;
	[tilespmem:$0x1E800] =	vst v63  }
0x2f: {  	s31 =	simm.s32 $0x1480  }
0x30: {  	[spmem:s2] =	stream.indirect.scatter.add.f32 [tilespmem:s19], [sflag:$0x3], $0x80, s31, s16, $0xb8;
	[tilespmem:$0x1E800] =	vst v63  }
0x31: {  	_ =	swait.ge [sflag:s14], $0x4000  }
0x32: {  	s25 =	simm.s32 $0x400;
	[sflag:s14] =	ssyncset.done $0x0  }
.LBB2_2:
0x33: {  	p0 =	sne.s32 s25, $0x4800  }
0x34: {  	[sflag:s14] =	ssyncadd.s32 $0xFFFFC000;
	s26 =	smov.u32 s25;
	s25 =	sadd.s32 $0x400, s25  }
0x35: {  	_ = 	snop  }
0x36: {  	_ =	swait.ge [sflag:s18], $0x4000  }
0x37: {  	s26 =	sshra.s32 s26, $0x2;
	[sflag:s18] =	ssyncset.done $0x0  }
0x38: {  	s28 =	sadd.s32 $0x80, s26;
	[sflag:s18] =	ssyncadd.s32 $0xFFFFC000  }
0x39: {  	[tilespmem:s19], [sflag:$0x2] =	stream.indirect.gather [hbm4b:s4+s16], $0x80, s28, s16, $0xb8;
	[tilespmem:$0x1E800] =	vst v63  }
0x3a: {  	s28 =	sadd.s32 $0x1400, s26  }
0x3b: {  	[spmem:s2] =	stream.indirect.scatter.add.f32 [tilespmem:s17], [sflag:$0x3], $0x80, s28, s16, $0xb8;
	[tilespmem:$0x1E800] =	vst v63  }
0x3c: {  	_ =	swait.ge [sflag:s14], $0x4000  }
0x3d: {  	[sflag:s14] =	ssyncset.done $0x0  }
0x3e: {  	[sflag:s14] =	ssyncadd.s32 $0xFFFFC000  }
0x3f: {  	_ =	swait.ge [sflag:s20], $0x4000  }
0x40: {  	[sflag:s20] =	ssyncset.done $0x0  }
0x41: {  	s28 =	sadd.s32 $0x100, s26;
	[sflag:s20] =	ssyncadd.s32 $0xFFFFC000  }
0x42: {  	[tilespmem:s17], [sflag:$0x1] =	stream.indirect.gather [hbm4b:s4+s16], $0x80, s28, s16, $0xb8;
	[tilespmem:$0x1E800] =	vst v63  }
.Ltmp0:
0x43: {  	_ = 	snop;
	(pc) =	sbr.rel @p0 .LBB2_2-.Ltmp0, $4  }
0x44: {  	s26 =	sadd.s32 $0x1480, s26  }
0x45: {  	[spmem:s2] =	stream.indirect.scatter.add.f32 [tilespmem:s19], [sflag:$0x3], $0x80, s26, s16, $0xb8;
	[tilespmem:$0x1E800] =	vst v63  }
0x46: {  	_ =	swait.ge [sflag:s14], $0x4000  }
0x47: {  	[sflag:s14] =	ssyncset.done $0x0  }
0x48: {  	[sflag:s14] =	ssyncadd.s32 $0xFFFFC000  }
0x49: {  	_ =	swait.ge [sflag:s18], $0x4000  }
0x4a: {  	[sflag:s18] =	ssyncset.done $0x0  }
0x4b: {  	[sflag:s18] =	ssyncadd.s32 $0xFFFFC000  }
0x4c: {  	[tilespmem:s19], [sflag:$0x2] =	stream.indirect.gather [hbm4b:s4+s16], $0x80, s21, s16, $0xb8;
	[tilespmem:$0x1E800] =	vst v63  }
0x4d: {  	_ = 	snop  }
0x4e: {  	[spmem:s2] =	stream.indirect.scatter.add.f32 [tilespmem:s17], [sflag:$0x3], $0x80, s22, s16, $0xb8;
	[tilespmem:$0x1E800] =	vst v63  }
0x4f: {  	_ =	swait.ge [sflag:s14], $0x4000  }
0x50: {  	[sflag:s14] =	ssyncset.done $0x0  }
0x51: {  	[sflag:s14] =	ssyncadd.s32 $0xFFFFC000  }
0x52: {  	_ =	swait.ge [sflag:s20], $0x4000  }
0x53: {  	[sflag:s20] =	ssyncset.done $0x0  }
0x54: {  	[sflag:s20] =	ssyncadd.s32 $0xFFFFC000  }
0x55: {  	[spmem:s2] =	stream.indirect.scatter.add.f32 [tilespmem:s19], [sflag:$0x3], $0x80, s23, s16, $0xb8;
	[tilespmem:$0x1E800] =	vst v63  }
0x56: {  	_ =	swait.ge [sflag:s14], $0x4000  }
0x57: {  	[sflag:s14] =	ssyncset.done $0x0  }
0x58: {  	s25 =	simm.s32 $0x0;
	[sflag:s14] =	ssyncadd.s32 $0xFFFFC000  }
0x59: {  	[tilespmem:s25], [sflag:$0x3] =	stream.linear.gather [hbm4b:s11+s25], $0x1400, $0x38;
	[tilespmem:$0x1E800] =	vst v63  }
0x5a: {  	_ =	swait.ge [sflag:s14], $0x1400  }
0x5b: {  	[sflag:s14] =	ssyncset.done $0x0  }
0x5c: {  	[sflag:s14] =	ssyncadd.s32 $0xFFFFEC00  }
0x5d: {  	[tilespmem:s15], [sflag:$0x3] =	stream.linear.gather [hbm4b:s12+s25], $0x1400, $0x38;
	[tilespmem:$0x1E800] =	vst v63  }
0x5e: {  	_ =	swait.ge [sflag:s14], $0x1400  }
0x5f: {  	[sflag:s14] =	ssyncset.done $0x0  }
0x60: {  	[sflag:s14] =	ssyncadd.s32 $0xFFFFEC00  }
0x61: {  	[tilespmem:s17], [sflag:$0x1] =	stream.indirect.gather [hbm4b:s4+s16], $0x80, s25, s16, $0xb8;
	[tilespmem:$0x1E800] =	vst v63  }
0x62: {  	_ =	swait.ge [sflag:s18], $0x4000  }
0x63: {  	[sflag:s18] =	ssyncset.done $0x0  }
0x64: {  	s28 =	simm.s32 $0x80;
	[sflag:s18] =	ssyncadd.s32 $0xFFFFC000  }
0x65: {  	[tilespmem:s19], [sflag:$0x2] =	stream.indirect.gather [hbm4b:s4+s16], $0x80, s28, s16, $0xb8;
	[tilespmem:$0x1E800] =	vst v63  }
0x66: {  	s29 =	simm.s32 $0x1400  }
0x67: {  	[spmem:s2] =	stream.indirect.scatter.add.f32 [tilespmem:s17], [sflag:$0x3], $0x80, s29, s16, $0xb8;
	[tilespmem:$0x1E800] =	vst v63  }
0x68: {  	_ =	swait.ge [sflag:s14], $0x4000  }
0x69: {  	[sflag:s14] =	ssyncset.done $0x0  }
0x6a: {  	[sflag:s14] =	ssyncadd.s32 $0xFFFFC000  }
0x6b: {  	_ =	swait.ge [sflag:s20], $0x4000  }
0x6c: {  	[sflag:s20] =	ssyncset.done $0x0  }
0x6d: {  	s30 =	simm.s32 $0x100;
	[sflag:s20] =	ssyncadd.s32 $0xFFFFC000  }
0x6e: {  	[tilespmem:s17], [sflag:$0x1] =	stream.indirect.gather [hbm4b:s4+s16], $0x80, s30, s16, $0xb8;
	[tilespmem:$0x1E800] =	vst v63  }
0x6f: {  	s31 =	simm.s32 $0x1480  }
0x70: {  	[spmem:s2] =	stream.indirect.scatter.add.f32 [tilespmem:s19], [sflag:$0x3], $0x80, s31, s16, $0xb8;
	[tilespmem:$0x1E800] =	vst v63  }
0x71: {  	_ =	swait.ge [sflag:s14], $0x4000  }
0x72: {  	s25 =	simm.s32 $0x400;
	[sflag:s14] =	ssyncset.done $0x0  }
.LBB2_4:
0x73: {  	p0 =	sne.s32 s25, $0x4800  }
0x74: {  	[sflag:s14] =	ssyncadd.s32 $0xFFFFC000;
	s26 =	smov.u32 s25;
	s25 =	sadd.s32 $0x400, s25  }
0x75: {  	_ = 	snop  }
0x76: {  	_ =	swait.ge [sflag:s18], $0x4000  }
0x77: {  	s26 =	sshra.s32 s26, $0x2;
	[sflag:s18] =	ssyncset.done $0x0  }
0x78: {  	s28 =	sadd.s32 $0x80, s26;
	[sflag:s18] =	ssyncadd.s32 $0xFFFFC000  }
0x79: {  	[tilespmem:s19], [sflag:$0x2] =	stream.indirect.gather [hbm4b:s4+s16], $0x80, s28, s16, $0xb8;
	[tilespmem:$0x1E800] =	vst v63  }
0x7a: {  	s28 =	sadd.s32 $0x1400, s26  }
0x7b: {  	[spmem:s2] =	stream.indirect.scatter.add.f32 [tilespmem:s17], [sflag:$0x3], $0x80, s28, s16, $0xb8;
	[tilespmem:$0x1E800] =	vst v63  }
0x7c: {  	_ =	swait.ge [sflag:s14], $0x4000  }
0x7d: {  	[sflag:s14] =	ssyncset.done $0x0  }
0x7e: {  	[sflag:s14] =	ssyncadd.s32 $0xFFFFC000  }
0x7f: {  	_ =	swait.ge [sflag:s20], $0x4000  }
0x80: {  	[sflag:s20] =	ssyncset.done $0x0  }
0x81: {  	s28 =	sadd.s32 $0x100, s26;
	[sflag:s20] =	ssyncadd.s32 $0xFFFFC000  }
0x82: {  	[tilespmem:s17], [sflag:$0x1] =	stream.indirect.gather [hbm4b:s4+s16], $0x80, s28, s16, $0xb8;
	[tilespmem:$0x1E800] =	vst v63  }
.Ltmp1:
0x83: {  	_ = 	snop;
	(pc) =	sbr.rel @p0 .LBB2_4-.Ltmp1, $4  }
0x84: {  	s26 =	sadd.s32 $0x1480, s26  }
0x85: {  	[spmem:s2] =	stream.indirect.scatter.add.f32 [tilespmem:s19], [sflag:$0x3], $0x80, s26, s16, $0xb8;
	[tilespmem:$0x1E800] =	vst v63  }
0x86: {  	_ =	swait.ge [sflag:s14], $0x4000  }
0x87: {  	[sflag:s14] =	ssyncset.done $0x0  }
0x88: {  	[sflag:s14] =	ssyncadd.s32 $0xFFFFC000  }
0x89: {  	_ =	swait.ge [sflag:s18], $0x4000  }
0x8a: {  	[sflag:s18] =	ssyncset.done $0x0  }
0x8b: {  	[sflag:s18] =	ssyncadd.s32 $0xFFFFC000  }
0x8c: {  	[tilespmem:s19], [sflag:$0x2] =	stream.indirect.gather [hbm4b:s4+s16], $0x80, s21, s16, $0xb8;
	[tilespmem:$0x1E800] =	vst v63  }
0x8d: {  	_ = 	snop  }
0x8e: {  	[spmem:s2] =	stream.indirect.scatter.add.f32 [tilespmem:s17], [sflag:$0x3], $0x80, s22, s16, $0xb8;
	[tilespmem:$0x1E800] =	vst v63  }
0x8f: {  	_ =	swait.ge [sflag:s14], $0x4000  }
0x90: {  	[sflag:s14] =	ssyncset.done $0x0  }
0x91: {  	[sflag:s14] =	ssyncadd.s32 $0xFFFFC000  }
0x92: {  	_ =	swait.ge [sflag:s20], $0x4000  }
0x93: {  	[sflag:s20] =	ssyncset.done $0x0  }
0x94: {  	[sflag:s20] =	ssyncadd.s32 $0xFFFFC000  }
0x95: {  	[spmem:s2] =	stream.indirect.scatter.add.f32 [tilespmem:s19], [sflag:$0x3], $0x80, s23, s16, $0xb8;
	[tilespmem:$0x1E800] =	vst v63  }
0x96: {  	_ =	swait.ge [sflag:s14], $0x4000  }
0x97: {  	s24 =	sadd.s32 $0x1, s24;
	[sflag:s14] =	ssyncset.done $0x0  }
0x98: {  	p0 =	sne.s32 s24, s8;
	[sflag:s14] =	ssyncadd.s32 $0xFFFFC000  }
.Ltmp2:
0x99: {  	[bflag:$0x0] =	sbarrier.arrive $0xFFFF;
	(pc) =	sbr.rel @p0 .LBB2_1-.Ltmp2, $4  }
0x9a: {  	[hbm:s7], [sflag:s6] =	dma.local [spmem:s13], $0x2800  }
0x9b: {  	_ =	swait.ge [sflag:s14], $0x2800  }
0x9c: {  	[sflag:s14] =	ssyncset.done $0x0  }
0x9d: {  	[sflag:s14] =	ssyncadd.s32 $0xFFFFD800  }
0x9e: {  	_ =	sfence.sel $0x180000  }
0x9f: {  	[bflag:$0x0] =	sbarrier.arrive $0xFFFF  }
0xa0: {  	p0 =	sne.s32 s1, $0x0;
	_ =	strace $0x9000004D  }
0xa1: {  	s0 =	sadd.s32 @!p0 $0x100000, s0;
	[bflag:$0x2] =	sbarrier.arrive $0xFFFF  }
0xa2: {  	[sflag:s0] =	ssyncadd.tile.s32 @!p0 $0x1;
	_ =	shalt  }
.Lfunc_end2:
_tile_overlayer_lowered:
.L_overlay_start_2:
0xa3: {  	(tag) =	ssettag $0x2  }
0xa4: {  	s0 =	rddreg [dreg:$0x0];
	s2 =	stileid.u32  }
0xa5: {  	s1 =	rddreg [dreg:$0x1];
	p0 =	sne.s32 s2, $0x0  }
0xa6: {  	s3 =	rddreg [dreg:$0x2];
	[bflag:$0x3] =	sbarrier.arrive $0xFFFF;
	s2 =	simm.s32 @!p0 $0x1C03  }
0xa7: {  	[timem:s3], [sflag:s2] =	dma.local @!p0 [hbm:s0], s1  }
0xa8: {  	s0 =	simm.s32 @!p0 $0x3  }
0xa9: {  	_ =	swait.ge @!p0 [sflag:s0], s1  }
0xaa: {  	s1 =	ssub.s32 @!p0 $0x0, s1;
	[sflag:s0] =	ssyncset.done @!p0 $0x0  }
0xab: {  	[sflag:s0] =	ssyncadd.s32 @!p0 s1  }
0xac: {  	[bflag:$0x3] =	sbarrier.arrive $0xFFFF  }
0xad: {  	_ =	shalt  }

// kernel: kernel.19.cloned.1.call-start
scs
__scs_entry_jumppad:
0x0: {  	(pc) =	sbr.rel $0x88, $3  }
0x1: {  	(tag) =	ssettag $0x0;
	lr =	simm.s32 $0x1  }
0x2: {  	[smem:$0x3F90] =	sst lr;
	_ =	strace $0xD0000000  }
0x3: {  	_ = 	snop  }
0x4: {  	_ = 	snop  }
0x5: {  	_ = 	snop  }
0x6: {  	_ = 	snop  }
0x7: {  	_ = 	snop  }
__scs_overlays_trampoline_lowered:
0x8: {  	[smem:$0x3F9F] =	sst s0  }
0x9: {  	[smem:$0x3FA0] =	sst s1  }
0xa: {  	[smem:$0x3FA1] =	sst s2  }
0xb: {  	[smem:$0x3FA2] =	sst s3  }
0xc: {  	[smem:$0x3FA3] =	sst s4  }
0xd: {  	[smem:$0x3FA4] =	sst s5  }
0xe: {  	[smem:$0x3FA5] =	sst s6  }
0xf: {  	[smem:$0x3FA6] =	sst s7  }
0x10: {  	[smem:$0x3FA7] =	sst s8  }
0x11: {  	[smem:$0x3FA8] =	sst s9;
	s0 =	simm.s32 @!p0 $0x0  }
0x12: {  	s1 =	sld [smem:$0x3F8E];
	s0 =	simm.s32 @p0 $0x1  }
0x13: {  	[smem:$0x3FA9] =	sst s0;
	s0 =	simm.s32 @!p1 $0x0  }
0x14: {  	s2 =	sld [smem:$0x3F8D];
	s0 =	simm.s32 @p1 $0x1  }
0x15: {  	[smem:$0x3FAA] =	sst s0;
	s0 =	simm.s32 @!p2 $0x0  }
0x16: {  	s3 =	sld [smem:$0x3FDB];
	s0 =	simm.s32 @p2 $0x1  }
0x17: {  	s4 =	simm.s32 $0x1BF5;
	[smem:$0x3FAC] =	sst s0  }
0x18: {  	s0 =	sld [smem:$0x3F8F];
	_ =	swait.ge [sflag:s4], $0x0  }
0x19: {  	s7 =	sld [smem:$0x3F90]  }
0x1a: {  	s8 =	sadd.s32 $0xFFFFE003, lr  }
0x1b: {  	s9 =	sadd.s32 $0xFFFFFEF7, lr;
	s5 =	simm.s32 $0xFFFFFFFF;
	p2 =	slt.u32 s8, $0xFFFFF086  }
0x1c: {  	p1 =	slt.u32 s9, $0xF7A;
	s5 =	simm.s32 @!p2 $0x0  }
0x1d: {  	s5 =	simm.s32 @p1 $0x1;
	p0 =	seq.s32 s7, s2  }
0x1e: {  	s7 =	smul.u32 @!p0 $0xF7A, s2;
	p2 =	seq.s32 @!p0 s5, $0x0  }
0x1f: {  	s9 =	smul.u32 $0xF7A, s1;
	s8 =	simm.s32 @!p0 $0x1BF5;
	p2 =	por !p2, p0  }
0x20: {  	[sflag:s8] =	ssyncset.s32 @!p0 $0xFFFFF086;
	s6 =	sadd.s32 @!p0 s3, s7;
	s7 =	simm.s32 @!p0 $0x108  }
0x21: {  	s3 =	sadd.s32 s3, s9;
	s6 =	sadd.s32 @!p0 $0x88, s6;
	s7 =	simm.s32 @p2 $0x1082  }
0x22: {  	[simem:s7], [sflag:s8] =	dma.local @!p0 [hbm:s6], $0xF7A  }
0x23: {  	s9 =	sor.u32 $0xD0000000, s2;
	s6 =	simm.s32 $0x108;
	_ =	swait.ge @!p0 [sflag:s8], $0x0  }
0x24: {  	s3 =	sadd.s32 $0x88, s3;
	s6 =	simm.s32 @!p1 $0x1082;
	[sflag:s4] =	ssyncset.s32 $0xFFFFF086  }
0x25: {  	[simem:s6], [sflag:s4] =	dma.local [hbm:s3], $0xF7A  }
0x26: {  	[smem:$0x3F90] =	sst s1;
	(tag) =	ssettag s2;
	_ =	strace s9  }
0x27: {  	s1 =	sld [smem:$0x3FA0]  }
0x28: {  	s2 =	sld [smem:$0x3FA1]  }
0x29: {  	s4 =	sld [smem:$0x3FA3]  }
0x2a: {  	p0 =	seq.s32 s5, $0x0;
	s5 =	sld [smem:$0x3FA4]  }
0x2b: {  	s6 =	sld [smem:$0x3FA5]  }
0x2c: {  	s7 =	sld [smem:$0x3FA6]  }
0x2d: {  	s3 =	simm.s32 $0x108;
	s8 =	sld [smem:$0x3FA7]  }
0x2e: {  	s3 =	simm.s32 @!p0 $0x1082;
	s9 =	sld [smem:$0x3FA8]  }
0x2f: {  	lr =	sadd.s32 s0, s3;
	s0 =	sld [smem:$0x3F9F]  }
0x30: {  	s3 =	sld [smem:$0x3FA2]  }
0x31: {  	[smem:$0x3FAB] =	sst s10  }
0x32: {  	s10 =	sld [smem:$0x3FA9];
	_ =	sdelay $0x3  }
0x33: {  	p0 =	seq.s32 s10, $0x1;
	s10 =	sld [smem:$0x3FAB];
	_ =	sdelay $0x3  }
0x34: {  	[smem:$0x3FAB] =	sst s10  }
0x35: {  	s10 =	sld [smem:$0x3FAA];
	_ =	sdelay $0x3  }
0x36: {  	p1 =	seq.s32 s10, $0x1;
	s10 =	sld [smem:$0x3FAB];
	_ =	sdelay $0x3  }
0x37: {  	[smem:$0x3FAB] =	sst s10  }
0x38: {  	s10 =	sld [smem:$0x3FAC]  }
0x39: {  	_ = 	snop;
	(pc) =	sbr.ind lr, $3  }
0x3a: {  	_ = 	snop  }
0x3b: {  	_ = 	snop  }
0x3c: {  	p2 =	seq.s32 s10, $0x1;
	s10 =	sld [smem:$0x3FAB]  }
0x3d: {  	_ =	shalt  }
0x3e: {  	_ =	shalt  }
0x3f: {  	_ =	shalt  }
0x40: {  	_ =	shalt  }
0x41: {  	_ =	shalt  }
0x42: {  	_ =	shalt  }
0x43: {  	_ =	shalt  }
0x44: {  	_ =	shalt  }
0x45: {  	_ =	shalt  }
0x46: {  	_ =	shalt  }
0x47: {  	_ =	shalt  }
0x48: {  	_ =	shalt  }
0x49: {  	_ =	shalt  }
0x4a: {  	_ =	shalt  }
0x4b: {  	_ =	shalt  }
0x4c: {  	_ =	shalt  }
0x4d: {  	_ =	shalt  }
0x4e: {  	_ =	shalt  }
0x4f: {  	_ =	shalt  }
0x50: {  	_ =	shalt  }
0x51: {  	_ =	shalt  }
0x52: {  	_ =	shalt  }
0x53: {  	_ =	shalt  }
0x54: {  	_ =	shalt  }
0x55: {  	_ =	shalt  }
0x56: {  	_ =	shalt  }
0x57: {  	_ =	shalt  }
0x58: {  	_ =	shalt  }
0x59: {  	_ =	shalt  }
0x5a: {  	_ =	shalt  }
0x5b: {  	_ =	shalt  }
0x5c: {  	_ =	shalt  }
0x5d: {  	_ =	shalt  }
0x5e: {  	_ =	shalt  }
0x5f: {  	_ =	shalt  }
0x60: {  	_ =	shalt  }
0x61: {  	_ =	shalt  }
0x62: {  	_ =	shalt  }
0x63: {  	_ =	shalt  }
0x64: {  	_ =	shalt  }
0x65: {  	_ =	shalt  }
0x66: {  	_ =	shalt  }
0x67: {  	_ =	shalt  }
0x68: {  	_ =	shalt  }
0x69: {  	_ =	shalt  }
0x6a: {  	_ =	shalt  }
0x6b: {  	_ =	shalt  }
0x6c: {  	_ =	shalt  }
0x6d: {  	_ =	shalt  }
0x6e: {  	_ =	shalt  }
0x6f: {  	_ =	shalt  }
0x70: {  	_ =	shalt  }
0x71: {  	_ =	shalt  }
0x72: {  	_ =	shalt  }
0x73: {  	_ =	shalt  }
0x74: {  	_ =	shalt  }
0x75: {  	_ =	shalt  }
0x76: {  	_ =	shalt  }
0x77: {  	_ =	shalt  }
0x78: {  	_ =	shalt  }
0x79: {  	_ =	shalt  }
0x7a: {  	_ =	shalt  }
0x7b: {  	_ =	shalt  }
0x7c: {  	_ =	shalt  }
0x7d: {  	_ =	shalt  }
0x7e: {  	_ =	shalt  }
0x7f: {  	_ =	shalt  }
0x80: {  	_ =	shalt  }
0x81: {  	_ =	shalt  }
0x82: {  	_ =	shalt  }
0x83: {  	_ =	shalt  }
0x84: {  	_ =	shalt  }
0x85: {  	_ =	shalt  }
0x86: {  	_ =	shalt  }
0x87: {  	_ =	shalt  }
.Lfunc_end0:
.L_simem_size_0:
called_computation.3_lowered:
.L_overlay_start_0:
0x88: {  	s2 =	sld [smem:$0x3FD9]  }
0x89: {  	s3 =	sld [smem:$0x3FFE];
	_ =	sdelay $0x1  }
0x8a: {  	s1 =	srdreg.scid  }
0x8b: {  	s0 =	sand.u32 $0x1, s1  }
0x8c: {  	s16 =	sshll.u32 s0, $0xA;
	s2 =	sadd.s32 s3, s2  }
0x8d: {  	s2 =	sadd.s32 s2, s16  }
0x8e: {  	[smem:$0x3FB7] =	sst s2  }
0x8f: {  	_ = 	snop  }
0x90: {  	(tm) =	ssettm $0x1  }
0x91: {  	s17 =	sld [smem:$0x3FFB];
	_ =	sdelay $0x3  }
0x92: {  	_ =	strace s17  }
0x93: {  	s2 =	sld [smem:$0x3FFC];
	_ =	sdelay $0x3  }
0x94: {  	_ =	strace s2  }
0x95: {  	s2 =	sld [smem:$0x3FFD];
	_ =	sdelay $0x3  }
0x96: {  	_ =	strace s2  }
0x97: {  	_ =	strace $0x8FFFFFFF  }
0x98: {  	s18 =	sld [smem:$0x3FDB];
	_ =	sdelay $0x1  }
0x99: {  	s19 =	simm.s32 $_scs_section_size  }
0x9a: {  	s4 =	simm.s32 $_size__tile_overlayer_lowered;
	s5 =	simm.s32 $_tile_overlayer_lowered  }
0x9b: {  	s22 =	simm.s32 $0x1BFF;
	s21 =	sshll.u32 s5, $0x1;
	s2 =	sadd.s32 s19, s18  }
0x9c: {  	s6 =	simm.s32 $0x0;
	s20 =	sshll.u32 s4, $0x1;
	s4 =	sadd.s32 s21, s2  }
0x9d: {  	[timem:s6], [sflag:s22] =	dma.local [hbm:s4], s20  }
0x9e: {  	_ =	swait.ge [sflag:s22], s20  }
0x9f: {  	s3 =	ssub.s32 $0x0, s20;
	[sflag:s22] =	ssyncset.done $0x0  }
0xa0: {  	[sflag:s22] =	ssyncadd.s32 s3;
	_ =	sdelay $0x1  }
0xa1: {  	s23 =	simm.s32 $0x1B8B  }
0xa2: {  	_ =	swait.ge [sflag:s23], $0x1  }
0xa3: {  	[sflag:s23] =	ssyncset.done $0x0  }
0xa4: {  	s25 =	simm.s32 $0x1B8E;
	s24 =	sld [smem:$0x3FFE];
	[sflag:s23] =	ssyncadd.s32 $0xFFFFFFFF  }
0xa5: {  	s26 =	simm.s32 $execute0_lowered;
	[smem:$0x3FD2] =	sst s25  }
0xa6: {  	s4 =	sshll.u32 s26, $0x1;
	_ =	strace $0x8000004F;
	[dreg:$0x1] =	wrdreg $0xFFFFFFFF  }
0xa7: {  	s28 =	simm.s32 $_size_execute0_lowered;
	s2 =	sadd.s32 s2, s4;
	[dreg:$0x0] =	wrdreg $0x0  }
0xa8: {  	s4 =	sshll.u32 s28, $0x1;
	[dreg:$0x2] =	wrdreg s2  }
0xa9: {  	[dreg:$0x3] =	wrdreg s4  }
0xaa: {  	[dreg:$0x4] =	wrdreg $0xC0  }
0xab: {  	_ =	task [dreg:s6], $0x5FFFF  }
0xac: {  	[dreg:$0x1] =	wrdreg $0xFFFFFFFF  }
0xad: {  	[dreg:$0x0] =	wrdreg $0x60  }
0xae: {  	[dreg:$0x2] =	wrdreg s24  }
0xaf: {  	[dreg:$0x3] =	wrdreg $0xA8000  }
0xb0: {  	[dreg:$0x4] =	wrdreg $0x9  }
0xb1: {  	_ =	task.clear_ibuf [dreg:s6], $0x5FFFF;
	_ =	strace $0x9000004F  }
0xb2: {  	s29 =	simm.s32 $0x9;
	_ =	strace $0x80000051  }
0xb3: {  	_ =	swait.ge [sflag:s29], $0x1  }
0xb4: {  	[sflag:s29] =	ssyncadd.s32 $0xFFFFFFFF  }
0xb5: {  	_ =	strace $0x90000051  }
0xb6: {  	_ =	sfence  }
0xb7: {  	s30 =	sld [smem:$0x0];
	_ =	sdelay $0x2  }
0xb8: {  	s31 =	sshll.u32 s1, $0xD;
	s1 =	sshrl.u32 s1, $0x2  }
0xb9: {  	s3 =	sand.u32 $0x4000, s31;
	s1 =	sadd.s32 s1, s30  }
0xba: {  	s0 =	sor.u32 s3, s0;
	s1 =	sshll.u32 s1, $0x11  }
0xbb: {  	s0 =	sor.u32 s1, s0  }
0xbc: {  	s0 =	sadd.s32 $0x8F2B, s0  }
0xbd: {  	[sflag:s0] =	ssyncadd.remote.s32 $0x1  }
0xbe: {  	_ =	sfence.sel $0xFFFF  }
0xbf: {  	[dreg:$0x0] =	wrdreg $0xFFFFFFFF;
	(pc) =	sbr.abs _section_cstart, $3  }
0xc0: {  	[dreg:$0x1] =	wrdreg $0xFFFFFFFF  }
0xc1: {  	_ =	task.clear_ibuf [dreg:s6], $0x2FFFF;
	_ =	strace $0x9FFFFFFF  }
0xc2: {  	(tm) =	ssettm $0x7FFFFFFF  }
0xc3: {  	_ =	shalt  }
tec
execute0_lowered:
.L_overlay_start_1:
0x0: {  	(tag) =	ssettag $0x1  }
0x1: {  	s5 =	rddreg [dreg:$0x0]  }
0x2: {  	s2 =	rddreg [dreg:$0x1]  }
0x3: {  	s0 =	rddreg [dreg:$0x2]  }
0x4: {  	s3 =	simm.s32 $0x0;
	s1 =	stileid.u32;
	s4 =	srdreg.scid  }
0x5: {  	s16 =	simm.s32 $0x80;
	s17 =	simm.s32 $0x2800;
	s18 =	simm.s32 $0x1  }
0x6: {  	s19 =	simm.s32 $0x6800;
	s20 =	simm.s32 $0x2;
	s21 =	simm.s32 $0x1380  }
0x7: {  	s22 =	simm.s32 $0x2700;
	s23 =	simm.s32 $0x2780;
	s24 =	simm.s32 $0x0  }
0x8: {  	[smem:$0x7FF] =	sst s3;
	s6 =	smul.u32 $0x14000, s1;
	s7 =	sand.u32 $0x1, s4  }
0x9: {  	s4 =	sadd.s32 $0x40600, s5;
	s11 =	sadd.s32 $0xE600, s5;
	s26 =	smul.u32 $0x50000, s1  }
0xa: {  	s12 =	sadd.s32 $0x4600, s5;
	s14 =	smul.u32 $0x2800, s1;
	s29 =	sshll.u32 s1, $0x6  }
0xb: {  	_ =	strace $0x80000050;
	s8 =	smul.u32 $0x140000, s7;
	s10 =	ssub.s32 $0x2, s7  }
0xc: {  	s7 =	smul.u32 $0x28000, s7;
	s9 =	sshrl.u32 s6, $0x3;
	s13 =	sshrl.u32 s10, $0x1  }
0xd: {  	s9 =	sadd.s32 s9, s5;
	s6 =	sadd.s32 s6, s8;
	s8 =	sshrl.u32 s26, $0x2  }
0xe: {  	s10 =	ssub.s32 s10, s13;
	s30 =	sadd.s32 s14, s7;
	s6 =	sshrl.u32 s6, $0x3  }
0xf: {  	s28 =	sadd.s32 s8, s2;
	s14 =	sshrl.u32 s30, $0x3;
	s8 =	smax.u32 s10, $0x1  }
0x10: {  	s15 =	sadd.s32 s6, s5;
	s5 =	sadd.s32 $0x18600, s9;
	s6 =	sor.u32 $0x1C03, s29  }
0x11: {  	s9 =	sadd.s32 s11, s14;
	s31 =	sadd.s32 $0x280, s14;
	s10 =	sadd.s32 s12, s14  }
0x12: {  	s13 =	sshrl.u32 s28, $0x3;
	s14 =	simm.s32 $0x3;
	s7 =	sadd.s32 $0x68600, s15  }
0x13: {  	s11 =	sadd.s32 s11, s31;
	s12 =	sadd.s32 s12, s31;
	s15 =	simm.s32 $0x1400  }
.LBB2_1:
0x14: {  	[spmem:s13], [sflag:s6] =	dma.local [hbm:s5], $0x2800  }
0x15: {  	_ =	swait.ge [sflag:s14], $0x2800  }
0x16: {  	[sflag:s14] =	ssyncset.done $0x0  }
0x17: {  	[sflag:s14] =	ssyncadd.s32 $0xFFFFD800  }
0x18: {  	[bflag:$0x0] =	sbarrier.arrive $0xFFFF  }
0x19: {  	[tilespmem:s3], [sflag:$0x3] =	stream.linear.gather [hbm4b:s9+s3], $0x1400, $0x38;
	[tilespmem:$0x1E800] =	vst v63  }
0x1a: {  	_ =	swait.ge [sflag:s14], $0x1400  }
0x1b: {  	[sflag:s14] =	ssyncset.done $0x0  }
0x1c: {  	[sflag:s14] =	ssyncadd.s32 $0xFFFFEC00  }
0x1d: {  	[tilespmem:s15], [sflag:$0x3] =	stream.linear.gather [hbm4b:s10+s3], $0x1400, $0x38;
	[tilespmem:$0x1E800] =	vst v63  }
0x1e: {  	_ =	swait.ge [sflag:s14], $0x1400  }
0x1f: {  	[sflag:s14] =	ssyncset.done $0x0  }
0x20: {  	[sflag:s14] =	ssyncadd.s32 $0xFFFFEC00  }
0x21: {  	[tilespmem:s17], [sflag:$0x1] =	stream.indirect.gather [hbm4b:s4+s16], $0x80, s3, s16, $0xb8;
	[tilespmem:$0x1E800] =	vst v63  }
0x22: {  	_ =	swait.ge [sflag:s18], $0x4000  }
0x23: {  	[sflag:s18] =	ssyncset.done $0x0  }
0x24: {  	s25 =	simm.s32 $0x80;
	[sflag:s18] =	ssyncadd.s32 $0xFFFFC000  }
0x25: {  	[tilespmem:s19], [sflag:$0x2] =	stream.indirect.gather [hbm4b:s4+s16], $0x80, s25, s16, $0xb8;
	[tilespmem:$0x1E800] =	vst v63  }
0x26: {  	s29 =	simm.s32 $0x1400  }
0x27: {  	[spmem:s2] =	stream.indirect.scatter.add.f32 [tilespmem:s17], [sflag:$0x3], $0x80, s29, s16, $0xb8;
	[tilespmem:$0x1E800] =	vst v63  }
0x28: {  	_ =	swait.ge [sflag:s14], $0x4000  }
0x29: {  	[sflag:s14] =	ssyncset.done $0x0  }
0x2a: {  	[sflag:s14] =	ssyncadd.s32 $0xFFFFC000  }
0x2b: {  	_ =	swait.ge [sflag:s20], $0x4000  }
0x2c: {  	[sflag:s20] =	ssyncset.done $0x0  }
0x2d: {  	s30 =	simm.s32 $0x100;
	[sflag:s20] =	ssyncadd.s32 $0xFFFFC000  }
0x2e: {  	[tilespmem:s17], [sflag:$0x1] =	stream.indirect.gather [hbm4b:s4+s16], $0x80, s30, s16, $0xb8;
	[tilespmem:$0x1E800] =	vst v63  }
0x2f: {  	s31 =	simm.s32 $0x1480  }
0x30: {  	[spmem:s2] =	stream.indirect.scatter.add.f32 [tilespmem:s19], [sflag:$0x3], $0x80, s31, s16, $0xb8;
	[tilespmem:$0x1E800] =	vst v63  }
0x31: {  	_ =	swait.ge [sflag:s14], $0x4000  }
0x32: {  	s25 =	simm.s32 $0x400;
	[sflag:s14] =	ssyncset.done $0x0  }
.LBB2_2:
0x33: {  	p0 =	sne.s32 s25, $0x4800  }
0x34: {  	[sflag:s14] =	ssyncadd.s32 $0xFFFFC000;
	s26 =	smov.u32 s25;
	s25 =	sadd.s32 $0x400, s25  }
0x35: {  	_ = 	snop  }
0x36: {  	_ =	swait.ge [sflag:s18], $0x4000  }
0x37: {  	s26 =	sshra.s32 s26, $0x2;
	[sflag:s18] =	ssyncset.done $0x0  }
0x38: {  	s28 =	sadd.s32 $0x80, s26;
	[sflag:s18] =	ssyncadd.s32 $0xFFFFC000  }
0x39: {  	[tilespmem:s19], [sflag:$0x2] =	stream.indirect.gather [hbm4b:s4+s16], $0x80, s28, s16, $0xb8;
	[tilespmem:$0x1E800] =	vst v63  }
0x3a: {  	s28 =	sadd.s32 $0x1400, s26  }
0x3b: {  	[spmem:s2] =	stream.indirect.scatter.add.f32 [tilespmem:s17], [sflag:$0x3], $0x80, s28, s16, $0xb8;
	[tilespmem:$0x1E800] =	vst v63  }
0x3c: {  	_ =	swait.ge [sflag:s14], $0x4000  }
0x3d: {  	[sflag:s14] =	ssyncset.done $0x0  }
0x3e: {  	[sflag:s14] =	ssyncadd.s32 $0xFFFFC000  }
0x3f: {  	_ =	swait.ge [sflag:s20], $0x4000  }
0x40: {  	[sflag:s20] =	ssyncset.done $0x0  }
0x41: {  	s28 =	sadd.s32 $0x100, s26;
	[sflag:s20] =	ssyncadd.s32 $0xFFFFC000  }
0x42: {  	[tilespmem:s17], [sflag:$0x1] =	stream.indirect.gather [hbm4b:s4+s16], $0x80, s28, s16, $0xb8;
	[tilespmem:$0x1E800] =	vst v63  }
.Ltmp0:
0x43: {  	_ = 	snop;
	(pc) =	sbr.rel @p0 .LBB2_2-.Ltmp0, $4  }
0x44: {  	s26 =	sadd.s32 $0x1480, s26  }
0x45: {  	[spmem:s2] =	stream.indirect.scatter.add.f32 [tilespmem:s19], [sflag:$0x3], $0x80, s26, s16, $0xb8;
	[tilespmem:$0x1E800] =	vst v63  }
0x46: {  	_ =	swait.ge [sflag:s14], $0x4000  }
0x47: {  	[sflag:s14] =	ssyncset.done $0x0  }
0x48: {  	[sflag:s14] =	ssyncadd.s32 $0xFFFFC000  }
0x49: {  	_ =	swait.ge [sflag:s18], $0x4000  }
0x4a: {  	[sflag:s18] =	ssyncset.done $0x0  }
0x4b: {  	[sflag:s18] =	ssyncadd.s32 $0xFFFFC000  }
0x4c: {  	[tilespmem:s19], [sflag:$0x2] =	stream.indirect.gather [hbm4b:s4+s16], $0x80, s21, s16, $0xb8;
	[tilespmem:$0x1E800] =	vst v63  }
0x4d: {  	_ = 	snop  }
0x4e: {  	[spmem:s2] =	stream.indirect.scatter.add.f32 [tilespmem:s17], [sflag:$0x3], $0x80, s22, s16, $0xb8;
	[tilespmem:$0x1E800] =	vst v63  }
0x4f: {  	_ =	swait.ge [sflag:s14], $0x4000  }
0x50: {  	[sflag:s14] =	ssyncset.done $0x0  }
0x51: {  	[sflag:s14] =	ssyncadd.s32 $0xFFFFC000  }
0x52: {  	_ =	swait.ge [sflag:s20], $0x4000  }
0x53: {  	[sflag:s20] =	ssyncset.done $0x0  }
0x54: {  	[sflag:s20] =	ssyncadd.s32 $0xFFFFC000  }
0x55: {  	[spmem:s2] =	stream.indirect.scatter.add.f32 [tilespmem:s19], [sflag:$0x3], $0x80, s23, s16, $0xb8;
	[tilespmem:$0x1E800] =	vst v63  }
0x56: {  	_ =	swait.ge [sflag:s14], $0x4000  }
0x57: {  	[sflag:s14] =	ssyncset.done $0x0  }
0x58: {  	s25 =	simm.s32 $0x0;
	[sflag:s14] =	ssyncadd.s32 $0xFFFFC000  }
0x59: {  	[tilespmem:s25], [sflag:$0x3] =	stream.linear.gather [hbm4b:s11+s25], $0x1400, $0x38;
	[tilespmem:$0x1E800] =	vst v63  }
0x5a: {  	_ =	swait.ge [sflag:s14], $0x1400  }
0x5b: {  	[sflag:s14] =	ssyncset.done $0x0  }
0x5c: {  	[sflag:s14] =	ssyncadd.s32 $0xFFFFEC00  }
0x5d: {  	[tilespmem:s15], [sflag:$0x3] =	stream.linear.gather [hbm4b:s12+s25], $0x1400, $0x38;
	[tilespmem:$0x1E800] =	vst v63  }
0x5e: {  	_ =	swait.ge [sflag:s14], $0x1400  }
0x5f: {  	[sflag:s14] =	ssyncset.done $0x0  }
0x60: {  	[sflag:s14] =	ssyncadd.s32 $0xFFFFEC00  }
0x61: {  	[tilespmem:s17], [sflag:$0x1] =	stream.indirect.gather [hbm4b:s4+s16], $0x80, s25, s16, $0xb8;
	[tilespmem:$0x1E800] =	vst v63  }
0x62: {  	_ =	swait.ge [sflag:s18], $0x4000  }
0x63: {  	[sflag:s18] =	ssyncset.done $0x0  }
0x64: {  	s28 =	simm.s32 $0x80;
	[sflag:s18] =	ssyncadd.s32 $0xFFFFC000  }
0x65: {  	[tilespmem:s19], [sflag:$0x2] =	stream.indirect.gather [hbm4b:s4+s16], $0x80, s28, s16, $0xb8;
	[tilespmem:$0x1E800] =	vst v63  }
0x66: {  	s29 =	simm.s32 $0x1400  }
0x67: {  	[spmem:s2] =	stream.indirect.scatter.add.f32 [tilespmem:s17], [sflag:$0x3], $0x80, s29, s16, $0xb8;
	[tilespmem:$0x1E800] =	vst v63  }
0x68: {  	_ =	swait.ge [sflag:s14], $0x4000  }
0x69: {  	[sflag:s14] =	ssyncset.done $0x0  }
0x6a: {  	[sflag:s14] =	ssyncadd.s32 $0xFFFFC000  }
0x6b: {  	_ =	swait.ge [sflag:s20], $0x4000  }
0x6c: {  	[sflag:s20] =	ssyncset.done $0x0  }
0x6d: {  	s30 =	simm.s32 $0x100;
	[sflag:s20] =	ssyncadd.s32 $0xFFFFC000  }
0x6e: {  	[tilespmem:s17], [sflag:$0x1] =	stream.indirect.gather [hbm4b:s4+s16], $0x80, s30, s16, $0xb8;
	[tilespmem:$0x1E800] =	vst v63  }
0x6f: {  	s31 =	simm.s32 $0x1480  }
0x70: {  	[spmem:s2] =	stream.indirect.scatter.add.f32 [tilespmem:s19], [sflag:$0x3], $0x80, s31, s16, $0xb8;
	[tilespmem:$0x1E800] =	vst v63  }
0x71: {  	_ =	swait.ge [sflag:s14], $0x4000  }
0x72: {  	s25 =	simm.s32 $0x400;
	[sflag:s14] =	ssyncset.done $0x0  }
.LBB2_4:
0x73: {  	p0 =	sne.s32 s25, $0x4800  }
0x74: {  	[sflag:s14] =	ssyncadd.s32 $0xFFFFC000;
	s26 =	smov.u32 s25;
	s25 =	sadd.s32 $0x400, s25  }
0x75: {  	_ = 	snop  }
0x76: {  	_ =	swait.ge [sflag:s18], $0x4000  }
0x77: {  	s26 =	sshra.s32 s26, $0x2;
	[sflag:s18] =	ssyncset.done $0x0  }
0x78: {  	s28 =	sadd.s32 $0x80, s26;
	[sflag:s18] =	ssyncadd.s32 $0xFFFFC000  }
0x79: {  	[tilespmem:s19], [sflag:$0x2] =	stream.indirect.gather [hbm4b:s4+s16], $0x80, s28, s16, $0xb8;
	[tilespmem:$0x1E800] =	vst v63  }
0x7a: {  	s28 =	sadd.s32 $0x1400, s26  }
0x7b: {  	[spmem:s2] =	stream.indirect.scatter.add.f32 [tilespmem:s17], [sflag:$0x3], $0x80, s28, s16, $0xb8;
	[tilespmem:$0x1E800] =	vst v63  }
0x7c: {  	_ =	swait.ge [sflag:s14], $0x4000  }
0x7d: {  	[sflag:s14] =	ssyncset.done $0x0  }
0x7e: {  	[sflag:s14] =	ssyncadd.s32 $0xFFFFC000  }
0x7f: {  	_ =	swait.ge [sflag:s20], $0x4000  }
0x80: {  	[sflag:s20] =	ssyncset.done $0x0  }
0x81: {  	s28 =	sadd.s32 $0x100, s26;
	[sflag:s20] =	ssyncadd.s32 $0xFFFFC000  }
0x82: {  	[tilespmem:s17], [sflag:$0x1] =	stream.indirect.gather [hbm4b:s4+s16], $0x80, s28, s16, $0xb8;
	[tilespmem:$0x1E800] =	vst v63  }
.Ltmp1:
0x83: {  	_ = 	snop;
	(pc) =	sbr.rel @p0 .LBB2_4-.Ltmp1, $4  }
0x84: {  	s26 =	sadd.s32 $0x1480, s26  }
0x85: {  	[spmem:s2] =	stream.indirect.scatter.add.f32 [tilespmem:s19], [sflag:$0x3], $0x80, s26, s16, $0xb8;
	[tilespmem:$0x1E800] =	vst v63  }
0x86: {  	_ =	swait.ge [sflag:s14], $0x4000  }
0x87: {  	[sflag:s14] =	ssyncset.done $0x0  }
0x88: {  	[sflag:s14] =	ssyncadd.s32 $0xFFFFC000  }
0x89: {  	_ =	swait.ge [sflag:s18], $0x4000  }
0x8a: {  	[sflag:s18] =	ssyncset.done $0x0  }
0x8b: {  	[sflag:s18] =	ssyncadd.s32 $0xFFFFC000  }
0x8c: {  	[tilespmem:s19], [sflag:$0x2] =	stream.indirect.gather [hbm4b:s4+s16], $0x80, s21, s16, $0xb8;
	[tilespmem:$0x1E800] =	vst v63  }
0x8d: {  	_ = 	snop  }
0x8e: {  	[spmem:s2] =	stream.indirect.scatter.add.f32 [tilespmem:s17], [sflag:$0x3], $0x80, s22, s16, $0xb8;
	[tilespmem:$0x1E800] =	vst v63  }
0x8f: {  	_ =	swait.ge [sflag:s14], $0x4000  }
0x90: {  	[sflag:s14] =	ssyncset.done $0x0  }
0x91: {  	[sflag:s14] =	ssyncadd.s32 $0xFFFFC000  }
0x92: {  	_ =	swait.ge [sflag:s20], $0x4000  }
0x93: {  	[sflag:s20] =	ssyncset.done $0x0  }
0x94: {  	[sflag:s20] =	ssyncadd.s32 $0xFFFFC000  }
0x95: {  	[spmem:s2] =	stream.indirect.scatter.add.f32 [tilespmem:s19], [sflag:$0x3], $0x80, s23, s16, $0xb8;
	[tilespmem:$0x1E800] =	vst v63  }
0x96: {  	_ =	swait.ge [sflag:s14], $0x4000  }
0x97: {  	s24 =	sadd.s32 $0x1, s24;
	[sflag:s14] =	ssyncset.done $0x0  }
0x98: {  	p0 =	sne.s32 s24, s8;
	[sflag:s14] =	ssyncadd.s32 $0xFFFFC000  }
.Ltmp2:
0x99: {  	[bflag:$0x0] =	sbarrier.arrive $0xFFFF;
	(pc) =	sbr.rel @p0 .LBB2_1-.Ltmp2, $4  }
0x9a: {  	[hbm:s7], [sflag:s6] =	dma.local [spmem:s13], $0x2800  }
0x9b: {  	_ =	swait.ge [sflag:s14], $0x2800  }
0x9c: {  	[sflag:s14] =	ssyncset.done $0x0  }
0x9d: {  	[sflag:s14] =	ssyncadd.s32 $0xFFFFD800  }
0x9e: {  	_ =	sfence.sel $0x180000  }
0x9f: {  	[bflag:$0x0] =	sbarrier.arrive $0xFFFF  }
0xa0: {  	p0 =	sne.s32 s1, $0x0;
	_ =	strace $0x90000050  }
0xa1: {  	s0 =	sadd.s32 @!p0 $0x100000, s0;
	[bflag:$0x2] =	sbarrier.arrive $0xFFFF  }
0xa2: {  	[sflag:s0] =	ssyncadd.tile.s32 @!p0 $0x1;
	_ =	shalt  }
.Lfunc_end2:
_tile_overlayer_lowered:
.L_overlay_start_2:
0xa3: {  	(tag) =	ssettag $0x2  }
0xa4: {  	s0 =	rddreg [dreg:$0x0];
	s2 =	stileid.u32  }
0xa5: {  	s1 =	rddreg [dreg:$0x1];
	p0 =	sne.s32 s2, $0x0  }
0xa6: {  	s3 =	rddreg [dreg:$0x2];
	[bflag:$0x3] =	sbarrier.arrive $0xFFFF;
	s2 =	simm.s32 @!p0 $0x1C03  }
0xa7: {  	[timem:s3], [sflag:s2] =	dma.local @!p0 [hbm:s0], s1  }
0xa8: {  	s0 =	simm.s32 @!p0 $0x3  }
0xa9: {  	_ =	swait.ge @!p0 [sflag:s0], s1  }
0xaa: {  	s1 =	ssub.s32 @!p0 $0x0, s1;
	[sflag:s0] =	ssyncset.done @!p0 $0x0  }
0xab: {  	[sflag:s0] =	ssyncadd.s32 @!p0 s1  }
0xac: {  	[bflag:$0x3] =	sbarrier.arrive $0xFFFF  }
0xad: {  	_ =	shalt  }

</sc_bundles>
